<compile_context>
chip_gen: v7x
topology: tpu7x:2x2x1
jax: 0.10.2.dev20260603
libtpu: 0.0.44.dev20260713+nightly
codegen_flags: <defaults>
</compile_context>

<pallas_src>
import functools

import jax
import jax.numpy as jnp
from jax import lax
from jax.experimental import pallas as pl
from jax.experimental.pallas import tpu as pltpu
from jax.experimental.pallas import tpu_sc as plsc

VOCAB = 100000
D = 64
B = 1024
L = 200
NF = 8
NTOT = B * L * NF
NW = 32
PER_W = NTOT // NW
CH = 128
NCH = PER_W // CH
NB = 8
NG = NCH // NB

_mesh = plsc.VectorSubcoreMesh(core_axis_name="c", subcore_axis_name="s")


@functools.partial(
    pl.kernel,
    out_type=jax.ShapeDtypeStruct((NTOT, D), jnp.float32),
    mesh=_mesh,
    compiler_params=pltpu.CompilerParams(use_tc_tiling_on_sc=False),
    scratch_types=[
        pltpu.VMEM((PER_W,), jnp.int32),
        pltpu.VMEM((NB, CH, D), jnp.float32),
        pltpu.SemaphoreType.DMA((NB,)),
        pltpu.SemaphoreType.DMA((NB,)),
    ],
)
def _emb_gather(idx_hbm, tab_hbm, out_hbm, idx_v, rows_v, gsem, wsem):
    c = lax.axis_index("c")
    s = lax.axis_index("s")
    wid = s * 2 + c
    base_ch = wid * NCH

    pltpu.sync_copy(idx_hbm.at[pl.ds(wid * PER_W, PER_W)], idx_v)

    for b in range(NB):
        pltpu.async_copy(tab_hbm.at[idx_v.at[pl.ds(b * CH, CH)]], rows_v.at[b], gsem.at[b])

    def group_body(g, _):
        for b in range(NB):
            ch = g * NB + b
            pltpu.make_async_copy(
                tab_hbm.at[pl.ds(0, CH)], rows_v.at[b], gsem.at[b]
            ).wait()
            pltpu.async_copy(
                rows_v.at[b], out_hbm.at[pl.ds((base_ch + ch) * CH, CH)],
                wsem.at[b],
            )
        for b in range(NB):
            pltpu.make_async_copy(
                rows_v.at[b], out_hbm.at[pl.ds(0, CH)], wsem.at[b]
            ).wait()

            @pl.when(g + 1 < NG)
            def _():
                nxt = (g + 1) * NB + b
                pltpu.async_copy(
                    tab_hbm.at[idx_v.at[pl.ds(nxt * CH, CH)]], rows_v.at[b],
                    gsem.at[b],
                )

        return 0

    lax.fori_loop(0, NG, group_body, 0)


def kernel(x, tables):
    tab = tables.reshape(NF * VOCAB, D)
    off = (lax.iota(jnp.int32, NTOT) % NF) * VOCAB
    idx = x.reshape(NTOT) + off
    out = _emb_gather(idx, tab)
    return out.reshape(B, L, NF * D)

# --- scband reference (transcript-rebuilt; emitter-appended) ---
"""Pipeline reference for scband-concat-token-embedding-17910013624714 (READ-ONLY COPY).

The authoritative reference and input builder live on the scoring server;
editing this copy changes nothing except your own understanding.
"""

import jax, jax.numpy as jnp
import numpy as np

VOCAB = 100000
N_EMBED = 512
SUB_DIM = N_EMBED // 8
B = 1024
L = 200

def setup_inputs(seed: int = 0) -> dict:
    key = jax.random.key(seed)
    kx, kw = jax.random.split(key)
    x = jax.random.randint(kx, (B, L, 8), 0, VOCAB, dtype=jnp.int32)
    # 8 embedding tables, each [VOCAB, SUB_DIM], stacked as [8, VOCAB, SUB_DIM]
    tables = jax.random.normal(kw, (8, VOCAB, SUB_DIM), dtype=jnp.float32) * 0.02
    return {"x": x, "tables": tables}

def reference(x, tables):
    # Faithful translation: per-field embedding lookup then concat on last dim
    outs = [jnp.take(tables[i], x[:, :, i], axis=0) for i in range(8)]
    return jnp.concatenate(outs, axis=-1)

if __name__ == "__main__":
    import jax
    _d = setup_inputs()
    print(jax.jit(kernel)(*tuple(_d.values())))

</pallas_src>

<mosaic_0001>
#map = affine_map<(d0, d1) -> (0)>
#map1 = affine_map<(d0, d1) -> (0, 0)>
module attributes {stable_mosaic.version = 14 : i64} {
  func.func @_emb_gather(%arg0: i32, %arg1: i32, %arg2: memref<1638400xi32, #tpu.memory_space<hbm>>, %arg3: memref<800000x64xf32, #tpu.memory_space<hbm>>, %arg4: memref<1638400x64xf32, #tpu.memory_space<hbm>>, %arg5: memref<51200xi32, #tpu.memory_space<vmem>>, %arg6: memref<8x128x64xf32, #tpu.memory_space<vmem>>, %arg7: memref<8x!tpu.dma_semaphore, #tpu.memory_space<semaphore_mem>>, %arg8: memref<8x!tpu.dma_semaphore, #tpu.memory_space<semaphore_mem>>) attributes {dimension_semantics = [#tpu.dimension_semantics<core_parallel>, #tpu.dimension_semantics<subcore_parallel>], iteration_bounds = array<i64: 2, 16>, scalar_prefetch = 0 : i64, scratch_operands = 4 : i64, tpu.core_type = #tpu.core_type<sc_vector_subcore>, window_params = [{transform_indices = #map}, {transform_indices = #map1}, {transform_indices = #map1}]} {
    %mul3A = arith.constant 2 : i32
    %mul3A_0 = arith.muli %arg1, %mul3A : i32
    %add3A = arith.addi %mul3A_0, %arg0 : i32
    %mul3A_1 = arith.constant 400 : i32
    %mul3A_2 = arith.muli %add3A, %mul3A_1 : i32
    %mul3A_3 = arith.constant 51200 : i32
    %mul3A_4 = arith.muli %add3A, %mul3A_3 : i32
    "tpu.region"() ({
      %run_scoped3A = tpu.sem_alloc : memref<!tpu.dma_semaphore, #tpu.memory_space<semaphore_mem>>
      %dma_start3A_114 = tpu.memref_slice %arg2[%mul3A_4] : memref<1638400xi32, #tpu.memory_space<hbm>> -> memref<51200xi32, #tpu.memory_space<hbm>>
      %dma_start3A_115 = tpu.memref_slice %arg2[%mul3A_4] : memref<1638400xi32, #tpu.memory_space<hbm>> -> memref<51200xi32, #tpu.memory_space<hbm>>
      tpu.enqueue_dma source(%dma_start3A_115 : memref<51200xi32, #tpu.memory_space<hbm>>) target(%arg5 : memref<51200xi32, #tpu.memory_space<vmem>>) target_semaphore(%run_scoped3A : memref<!tpu.dma_semaphore, #tpu.memory_space<semaphore_mem>>)
      %dma_wait3A = tpu.memref_slice %arg2[%mul3A_4] : memref<1638400xi32, #tpu.memory_space<hbm>> -> memref<51200xi32, #tpu.memory_space<hbm>>
      %dma_wait3A_116 = tpu.memref_slice %arg2[%mul3A_4] : memref<1638400xi32, #tpu.memory_space<hbm>> -> memref<51200xi32, #tpu.memory_space<hbm>>
      tpu.wait_dma2 semaphore(%run_scoped3A : memref<!tpu.dma_semaphore, #tpu.memory_space<semaphore_mem>>) src(%dma_wait3A_116 : memref<51200xi32, #tpu.memory_space<hbm>>) dst(%arg5 : memref<51200xi32, #tpu.memory_space<vmem>>)
      tpu.yield
    }) : () -> ()
    %dma_start3A = arith.constant 0 : i32
    %dma_start3A_5 = arith.constant 0 : i32
    %dma_start3A_6 = arith.constant 0 : i32
    %dma_start3A_7 = arith.constant 0 : i32
    %dma_start3A_8 = tpu.memref_slice %arg6[%dma_start3A, %dma_start3A_6, %dma_start3A_7] : memref<8x128x64xf32, #tpu.memory_space<vmem>> -> memref<1x128x64xf32, #tpu.memory_space<vmem>>
    %dma_start3A_9 = tpu.memref_squeeze %dma_start3A_8 : memref<1x128x64xf32, #tpu.memory_space<vmem>> -> memref<128x64xf32, #tpu.memory_space<vmem>>
    %dma_start3A_10 = arith.constant 0 : i32
    %dma_start3A_11 = tpu.memref_slice %arg5[%dma_start3A_10] : memref<51200xi32, #tpu.memory_space<vmem>> -> memref<128xi32, #tpu.memory_space<vmem>>
    %dma_start3A_12 = arith.constant 0 : i32
    %dma_start3A_13 = arith.constant 0 : i32
    %dma_start3A_14 = tpu.memref_slice %arg3[%dma_start3A_12, %dma_start3A_13] : memref<800000x64xf32, #tpu.memory_space<hbm>> -> memref<800000x64xf32, #tpu.memory_space<hbm>>
    %dma_start3A_15 = tpu.memref_slice %arg7[%dma_start3A_5] : memref<8x!tpu.dma_semaphore, #tpu.memory_space<semaphore_mem>> -> memref<1x!tpu.dma_semaphore, #tpu.memory_space<semaphore_mem>>
    %dma_start3A_16 = tpu.memref_squeeze %dma_start3A_15 : memref<1x!tpu.dma_semaphore, #tpu.memory_space<semaphore_mem>> -> memref<!tpu.dma_semaphore, #tpu.memory_space<semaphore_mem>>
    tpu.enqueue_indirect_dma source(%dma_start3A_14 : memref<800000x64xf32, #tpu.memory_space<hbm>>) target(%dma_start3A_9 : memref<128x64xf32, #tpu.memory_space<vmem>>) offsets(%dma_start3A_11 : memref<128xi32, #tpu.memory_space<vmem>>) semaphore(%dma_start3A_16 : memref<!tpu.dma_semaphore, #tpu.memory_space<semaphore_mem>>)
    %dma_start3A_17 = arith.constant 1 : i32
    %dma_start3A_18 = arith.constant 1 : i32
    %dma_start3A_19 = arith.constant 0 : i32
    %dma_start3A_20 = arith.constant 0 : i32
    %dma_start3A_21 = tpu.memref_slice %arg6[%dma_start3A_17, %dma_start3A_19, %dma_start3A_20] : memref<8x128x64xf32, #tpu.memory_space<vmem>> -> memref<1x128x64xf32, #tpu.memory_space<vmem>>
    %dma_start3A_22 = tpu.memref_squeeze %dma_start3A_21 : memref<1x128x64xf32, #tpu.memory_space<vmem>> -> memref<128x64xf32, #tpu.memory_space<vmem>>
    %dma_start3A_23 = arith.constant 128 : i32
    %dma_start3A_24 = tpu.memref_slice %arg5[%dma_start3A_23] : memref<51200xi32, #tpu.memory_space<vmem>> -> memref<128xi32, #tpu.memory_space<vmem>>
    %dma_start3A_25 = arith.constant 0 : i32
    %dma_start3A_26 = arith.constant 0 : i32
    %dma_start3A_27 = tpu.memref_slice %arg3[%dma_start3A_25, %dma_start3A_26] : memref<800000x64xf32, #tpu.memory_space<hbm>> -> memref<800000x64xf32, #tpu.memory_space<hbm>>
    %dma_start3A_28 = tpu.memref_slice %arg7[%dma_start3A_18] : memref<8x!tpu.dma_semaphore, #tpu.memory_space<semaphore_mem>> -> memref<1x!tpu.dma_semaphore, #tpu.memory_space<semaphore_mem>>
    %dma_start3A_29 = tpu.memref_squeeze %dma_start3A_28 : memref<1x!tpu.dma_semaphore, #tpu.memory_space<semaphore_mem>> -> memref<!tpu.dma_semaphore, #tpu.memory_space<semaphore_mem>>
    tpu.enqueue_indirect_dma source(%dma_start3A_27 : memref<800000x64xf32, #tpu.memory_space<hbm>>) target(%dma_start3A_22 : memref<128x64xf32, #tpu.memory_space<vmem>>) offsets(%dma_start3A_24 : memref<128xi32, #tpu.memory_space<vmem>>) semaphore(%dma_start3A_29 : memref<!tpu.dma_semaphore, #tpu.memory_space<semaphore_mem>>)
    %dma_start3A_30 = arith.constant 2 : i32
    %dma_start3A_31 = arith.constant 2 : i32
    %dma_start3A_32 = arith.constant 0 : i32
    %dma_start3A_33 = arith.constant 0 : i32
    %dma_start3A_34 = tpu.memref_slice %arg6[%dma_start3A_30, %dma_start3A_32, %dma_start3A_33] : memref<8x128x64xf32, #tpu.memory_space<vmem>> -> memref<1x128x64xf32, #tpu.memory_space<vmem>>
    %dma_start3A_35 = tpu.memref_squeeze %dma_start3A_34 : memref<1x128x64xf32, #tpu.memory_space<vmem>> -> memref<128x64xf32, #tpu.memory_space<vmem>>
    %dma_start3A_36 = arith.constant 256 : i32
    %dma_start3A_37 = tpu.memref_slice %arg5[%dma_start3A_36] : memref<51200xi32, #tpu.memory_space<vmem>> -> memref<128xi32, #tpu.memory_space<vmem>>
    %dma_start3A_38 = arith.constant 0 : i32
    %dma_start3A_39 = arith.constant 0 : i32
    %dma_start3A_40 = tpu.memref_slice %arg3[%dma_start3A_38, %dma_start3A_39] : memref<800000x64xf32, #tpu.memory_space<hbm>> -> memref<800000x64xf32, #tpu.memory_space<hbm>>
    %dma_start3A_41 = tpu.memref_slice %arg7[%dma_start3A_31] : memref<8x!tpu.dma_semaphore, #tpu.memory_space<semaphore_mem>> -> memref<1x!tpu.dma_semaphore, #tpu.memory_space<semaphore_mem>>
    %dma_start3A_42 = tpu.memref_squeeze %dma_start3A_41 : memref<1x!tpu.dma_semaphore, #tpu.memory_space<semaphore_mem>> -> memref<!tpu.dma_semaphore, #tpu.memory_space<semaphore_mem>>
    tpu.enqueue_indirect_dma source(%dma_start3A_40 : memref<800000x64xf32, #tpu.memory_space<hbm>>) target(%dma_start3A_35 : memref<128x64xf32, #tpu.memory_space<vmem>>) offsets(%dma_start3A_37 : memref<128xi32, #tpu.memory_space<vmem>>) semaphore(%dma_start3A_42 : memref<!tpu.dma_semaphore, #tpu.memory_space<semaphore_mem>>)
    %dma_start3A_43 = arith.constant 3 : i32
    %dma_start3A_44 = arith.constant 3 : i32
    %dma_start3A_45 = arith.constant 0 : i32
    %dma_start3A_46 = arith.constant 0 : i32
    %dma_start3A_47 = tpu.memref_slice %arg6[%dma_start3A_43, %dma_start3A_45, %dma_start3A_46] : memref<8x128x64xf32, #tpu.memory_space<vmem>> -> memref<1x128x64xf32, #tpu.memory_space<vmem>>
    %dma_start3A_48 = tpu.memref_squeeze %dma_start3A_47 : memref<1x128x64xf32, #tpu.memory_space<vmem>> -> memref<128x64xf32, #tpu.memory_space<vmem>>
    %dma_start3A_49 = arith.constant 384 : i32
    %dma_start3A_50 = tpu.memref_slice %arg5[%dma_start3A_49] : memref<51200xi32, #tpu.memory_space<vmem>> -> memref<128xi32, #tpu.memory_space<vmem>>
    %dma_start3A_51 = arith.constant 0 : i32
    %dma_start3A_52 = arith.constant 0 : i32
    %dma_start3A_53 = tpu.memref_slice %arg3[%dma_start3A_51, %dma_start3A_52] : memref<800000x64xf32, #tpu.memory_space<hbm>> -> memref<800000x64xf32, #tpu.memory_space<hbm>>
    %dma_start3A_54 = tpu.memref_slice %arg7[%dma_start3A_44] : memref<8x!tpu.dma_semaphore, #tpu.memory_space<semaphore_mem>> -> memref<1x!tpu.dma_semaphore, #tpu.memory_space<semaphore_mem>>
    %dma_start3A_55 = tpu.memref_squeeze %dma_start3A_54 : memref<1x!tpu.dma_semaphore, #tpu.memory_space<semaphore_mem>> -> memref<!tpu.dma_semaphore, #tpu.memory_space<semaphore_mem>>
    tpu.enqueue_indirect_dma source(%dma_start3A_53 : memref<800000x64xf32, #tpu.memory_space<hbm>>) target(%dma_start3A_48 : memref<128x64xf32, #tpu.memory_space<vmem>>) offsets(%dma_start3A_50 : memref<128xi32, #tpu.memory_space<vmem>>) semaphore(%dma_start3A_55 : memref<!tpu.dma_semaphore, #tpu.memory_space<semaphore_mem>>)
    %dma_start3A_56 = arith.constant 4 : i32
    %dma_start3A_57 = arith.constant 4 : i32
    %dma_start3A_58 = arith.constant 0 : i32
    %dma_start3A_59 = arith.constant 0 : i32
    %dma_start3A_60 = tpu.memref_slice %arg6[%dma_start3A_56, %dma_start3A_58, %dma_start3A_59] : memref<8x128x64xf32, #tpu.memory_space<vmem>> -> memref<1x128x64xf32, #tpu.memory_space<vmem>>
    %dma_start3A_61 = tpu.memref_squeeze %dma_start3A_60 : memref<1x128x64xf32, #tpu.memory_space<vmem>> -> memref<128x64xf32, #tpu.memory_space<vmem>>
    %dma_start3A_62 = arith.constant 512 : i32
    %dma_start3A_63 = tpu.memref_slice %arg5[%dma_start3A_62] : memref<51200xi32, #tpu.memory_space<vmem>> -> memref<128xi32, #tpu.memory_space<vmem>>
    %dma_start3A_64 = arith.constant 0 : i32
    %dma_start3A_65 = arith.constant 0 : i32
    %dma_start3A_66 = tpu.memref_slice %arg3[%dma_start3A_64, %dma_start3A_65] : memref<800000x64xf32, #tpu.memory_space<hbm>> -> memref<800000x64xf32, #tpu.memory_space<hbm>>
    %dma_start3A_67 = tpu.memref_slice %arg7[%dma_start3A_57] : memref<8x!tpu.dma_semaphore, #tpu.memory_space<semaphore_mem>> -> memref<1x!tpu.dma_semaphore, #tpu.memory_space<semaphore_mem>>
    %dma_start3A_68 = tpu.memref_squeeze %dma_start3A_67 : memref<1x!tpu.dma_semaphore, #tpu.memory_space<semaphore_mem>> -> memref<!tpu.dma_semaphore, #tpu.memory_space<semaphore_mem>>
    tpu.enqueue_indirect_dma source(%dma_start3A_66 : memref<800000x64xf32, #tpu.memory_space<hbm>>) target(%dma_start3A_61 : memref<128x64xf32, #tpu.memory_space<vmem>>) offsets(%dma_start3A_63 : memref<128xi32, #tpu.memory_space<vmem>>) semaphore(%dma_start3A_68 : memref<!tpu.dma_semaphore, #tpu.memory_space<semaphore_mem>>)
    %dma_start3A_69 = arith.constant 5 : i32
    %dma_start3A_70 = arith.constant 5 : i32
    %dma_start3A_71 = arith.constant 0 : i32
    %dma_start3A_72 = arith.constant 0 : i32
    %dma_start3A_73 = tpu.memref_slice %arg6[%dma_start3A_69, %dma_start3A_71, %dma_start3A_72] : memref<8x128x64xf32, #tpu.memory_space<vmem>> -> memref<1x128x64xf32, #tpu.memory_space<vmem>>
    %dma_start3A_74 = tpu.memref_squeeze %dma_start3A_73 : memref<1x128x64xf32, #tpu.memory_space<vmem>> -> memref<128x64xf32, #tpu.memory_space<vmem>>
    %dma_start3A_75 = arith.constant 640 : i32
    %dma_start3A_76 = tpu.memref_slice %arg5[%dma_start3A_75] : memref<51200xi32, #tpu.memory_space<vmem>> -> memref<128xi32, #tpu.memory_space<vmem>>
    %dma_start3A_77 = arith.constant 0 : i32
    %dma_start3A_78 = arith.constant 0 : i32
    %dma_start3A_79 = tpu.memref_slice %arg3[%dma_start3A_77, %dma_start3A_78] : memref<800000x64xf32, #tpu.memory_space<hbm>> -> memref<800000x64xf32, #tpu.memory_space<hbm>>
    %dma_start3A_80 = tpu.memref_slice %arg7[%dma_start3A_70] : memref<8x!tpu.dma_semaphore, #tpu.memory_space<semaphore_mem>> -> memref<1x!tpu.dma_semaphore, #tpu.memory_space<semaphore_mem>>
    %dma_start3A_81 = tpu.memref_squeeze %dma_start3A_80 : memref<1x!tpu.dma_semaphore, #tpu.memory_space<semaphore_mem>> -> memref<!tpu.dma_semaphore, #tpu.memory_space<semaphore_mem>>
    tpu.enqueue_indirect_dma source(%dma_start3A_79 : memref<800000x64xf32, #tpu.memory_space<hbm>>) target(%dma_start3A_74 : memref<128x64xf32, #tpu.memory_space<vmem>>) offsets(%dma_start3A_76 : memref<128xi32, #tpu.memory_space<vmem>>) semaphore(%dma_start3A_81 : memref<!tpu.dma_semaphore, #tpu.memory_space<semaphore_mem>>)
    %dma_start3A_82 = arith.constant 6 : i32
    %dma_start3A_83 = arith.constant 6 : i32
    %dma_start3A_84 = arith.constant 0 : i32
    %dma_start3A_85 = arith.constant 0 : i32
    %dma_start3A_86 = tpu.memref_slice %arg6[%dma_start3A_82, %dma_start3A_84, %dma_start3A_85] : memref<8x128x64xf32, #tpu.memory_space<vmem>> -> memref<1x128x64xf32, #tpu.memory_space<vmem>>
    %dma_start3A_87 = tpu.memref_squeeze %dma_start3A_86 : memref<1x128x64xf32, #tpu.memory_space<vmem>> -> memref<128x64xf32, #tpu.memory_space<vmem>>
    %dma_start3A_88 = arith.constant 768 : i32
    %dma_start3A_89 = tpu.memref_slice %arg5[%dma_start3A_88] : memref<51200xi32, #tpu.memory_space<vmem>> -> memref<128xi32, #tpu.memory_space<vmem>>
    %dma_start3A_90 = arith.constant 0 : i32
    %dma_start3A_91 = arith.constant 0 : i32
    %dma_start3A_92 = tpu.memref_slice %arg3[%dma_start3A_90, %dma_start3A_91] : memref<800000x64xf32, #tpu.memory_space<hbm>> -> memref<800000x64xf32, #tpu.memory_space<hbm>>
    %dma_start3A_93 = tpu.memref_slice %arg7[%dma_start3A_83] : memref<8x!tpu.dma_semaphore, #tpu.memory_space<semaphore_mem>> -> memref<1x!tpu.dma_semaphore, #tpu.memory_space<semaphore_mem>>
    %dma_start3A_94 = tpu.memref_squeeze %dma_start3A_93 : memref<1x!tpu.dma_semaphore, #tpu.memory_space<semaphore_mem>> -> memref<!tpu.dma_semaphore, #tpu.memory_space<semaphore_mem>>
    tpu.enqueue_indirect_dma source(%dma_start3A_92 : memref<800000x64xf32, #tpu.memory_space<hbm>>) target(%dma_start3A_87 : memref<128x64xf32, #tpu.memory_space<vmem>>) offsets(%dma_start3A_89 : memref<128xi32, #tpu.memory_space<vmem>>) semaphore(%dma_start3A_94 : memref<!tpu.dma_semaphore, #tpu.memory_space<semaphore_mem>>)
    %dma_start3A_95 = arith.constant 7 : i32
    %dma_start3A_96 = arith.constant 7 : i32
    %dma_start3A_97 = arith.constant 0 : i32
    %dma_start3A_98 = arith.constant 0 : i32
    %dma_start3A_99 = tpu.memref_slice %arg6[%dma_start3A_95, %dma_start3A_97, %dma_start3A_98] : memref<8x128x64xf32, #tpu.memory_space<vmem>> -> memref<1x128x64xf32, #tpu.memory_space<vmem>>
    %dma_start3A_100 = tpu.memref_squeeze %dma_start3A_99 : memref<1x128x64xf32, #tpu.memory_space<vmem>> -> memref<128x64xf32, #tpu.memory_space<vmem>>
    %dma_start3A_101 = arith.constant 896 : i32
    %dma_start3A_102 = tpu.memref_slice %arg5[%dma_start3A_101] : memref<51200xi32, #tpu.memory_space<vmem>> -> memref<128xi32, #tpu.memory_space<vmem>>
    %dma_start3A_103 = arith.constant 0 : i32
    %dma_start3A_104 = arith.constant 0 : i32
    %dma_start3A_105 = tpu.memref_slice %arg3[%dma_start3A_103, %dma_start3A_104] : memref<800000x64xf32, #tpu.memory_space<hbm>> -> memref<800000x64xf32, #tpu.memory_space<hbm>>
    %dma_start3A_106 = tpu.memref_slice %arg7[%dma_start3A_96] : memref<8x!tpu.dma_semaphore, #tpu.memory_space<semaphore_mem>> -> memref<1x!tpu.dma_semaphore, #tpu.memory_space<semaphore_mem>>
    %dma_start3A_107 = tpu.memref_squeeze %dma_start3A_106 : memref<1x!tpu.dma_semaphore, #tpu.memory_space<semaphore_mem>> -> memref<!tpu.dma_semaphore, #tpu.memory_space<semaphore_mem>>
    tpu.enqueue_indirect_dma source(%dma_start3A_105 : memref<800000x64xf32, #tpu.memory_space<hbm>>) target(%dma_start3A_100 : memref<128x64xf32, #tpu.memory_space<vmem>>) offsets(%dma_start3A_102 : memref<128xi32, #tpu.memory_space<vmem>>) semaphore(%dma_start3A_107 : memref<!tpu.dma_semaphore, #tpu.memory_space<semaphore_mem>>)
    %scan3A = arith.constant 0 : i32
    %scan3A_108 = arith.constant 0 : i32
    %scan3A_109 = arith.constant 50 : i32
    %scan3A_110 = arith.addi %scan3A_108, %scan3A_109 : i32
    %scan3A_111 = arith.constant 1 : i32
    %scan3A_112 = scf.for %scan3A_114 = %scan3A_108 to %scan3A_110 step %scan3A_111 iter_args(%scan3A_115 = %scan3A) -> (i32)  : i32 {
      %mul3A_116 = arith.constant 8 : i32
      %mul3A_117 = arith.muli %scan3A_114, %mul3A_116 : i32
      %add3A_118 = arith.constant 0 : i32
      %add3A_119 = arith.addi %mul3A_117, %add3A_118 : i32
      %dma_wait3A = arith.constant 0 : i32
      %dma_wait3A_120 = arith.constant 0 : i32
      %dma_wait3A_121 = arith.constant 0 : i32
      %dma_wait3A_122 = arith.constant 0 : i32
      %dma_wait3A_123 = tpu.memref_slice %arg6[%dma_wait3A, %dma_wait3A_121, %dma_wait3A_122] : memref<8x128x64xf32, #tpu.memory_space<vmem>> -> memref<1x128x64xf32, #tpu.memory_space<vmem>>
      %dma_wait3A_124 = tpu.memref_squeeze %dma_wait3A_123 : memref<1x128x64xf32, #tpu.memory_space<vmem>> -> memref<128x64xf32, #tpu.memory_space<vmem>>
      %dma_wait3A_125 = arith.constant 0 : i32
      %dma_wait3A_126 = arith.constant 0 : i32
      %dma_wait3A_127 = tpu.memref_slice %arg3[%dma_wait3A_125, %dma_wait3A_126] : memref<800000x64xf32, #tpu.memory_space<hbm>> -> memref<128x64xf32, #tpu.memory_space<hbm>>
      %dma_wait3A_128 = tpu.memref_slice %arg7[%dma_wait3A_120] : memref<8x!tpu.dma_semaphore, #tpu.memory_space<semaphore_mem>> -> memref<1x!tpu.dma_semaphore, #tpu.memory_space<semaphore_mem>>
      %dma_wait3A_129 = tpu.memref_squeeze %dma_wait3A_128 : memref<1x!tpu.dma_semaphore, #tpu.memory_space<semaphore_mem>> -> memref<!tpu.dma_semaphore, #tpu.memory_space<semaphore_mem>>
      %dma_wait3A_130 = arith.constant 0 : i32
      %dma_wait3A_131 = arith.constant 0 : i32
      %dma_wait3A_132 = tpu.memref_slice %arg6[%dma_wait3A, %dma_wait3A_130, %dma_wait3A_131] : memref<8x128x64xf32, #tpu.memory_space<vmem>> -> memref<1x128x64xf32, #tpu.memory_space<vmem>>
      %dma_wait3A_133 = tpu.memref_squeeze %dma_wait3A_132 : memref<1x128x64xf32, #tpu.memory_space<vmem>> -> memref<128x64xf32, #tpu.memory_space<vmem>>
      %dma_wait3A_134 = arith.constant 0 : i32
      %dma_wait3A_135 = arith.constant 0 : i32
      %dma_wait3A_136 = tpu.memref_slice %arg3[%dma_wait3A_134, %dma_wait3A_135] : memref<800000x64xf32, #tpu.memory_space<hbm>> -> memref<128x64xf32, #tpu.memory_space<hbm>>
      tpu.wait_dma2 semaphore(%dma_wait3A_129 : memref<!tpu.dma_semaphore, #tpu.memory_space<semaphore_mem>>) src(%dma_wait3A_136 : memref<128x64xf32, #tpu.memory_space<hbm>>) dst(%dma_wait3A_133 : memref<128x64xf32, #tpu.memory_space<vmem>>)
      %add3A_137 = arith.addi %mul3A_2, %add3A_119 : i32
      %mul3A_138 = arith.constant 128 : i32
      %mul3A_139 = arith.muli %add3A_137, %mul3A_138 : i32
      %dma_start3A_140 = arith.constant 0 : i32
      %dma_start3A_141 = arith.constant 0 : i32
      %dma_start3A_142 = arith.constant 0 : i32
      %dma_start3A_143 = arith.constant 0 : i32
      %dma_start3A_144 = tpu.memref_slice %arg6[%dma_start3A_140, %dma_start3A_142, %dma_start3A_143] : memref<8x128x64xf32, #tpu.memory_space<vmem>> -> memref<1x128x64xf32, #tpu.memory_space<vmem>>
      %dma_start3A_145 = tpu.memref_squeeze %dma_start3A_144 : memref<1x128x64xf32, #tpu.memory_space<vmem>> -> memref<128x64xf32, #tpu.memory_space<vmem>>
      %dma_start3A_146 = arith.constant 0 : i32
      %dma_start3A_147 = tpu.memref_slice %arg4[%mul3A_139, %dma_start3A_146] : memref<1638400x64xf32, #tpu.memory_space<hbm>> -> memref<128x64xf32, #tpu.memory_space<hbm>>
      %dma_start3A_148 = tpu.memref_slice %arg8[%dma_start3A_141] : memref<8x!tpu.dma_semaphore, #tpu.memory_space<semaphore_mem>> -> memref<1x!tpu.dma_semaphore, #tpu.memory_space<semaphore_mem>>
      %dma_start3A_149 = tpu.memref_squeeze %dma_start3A_148 : memref<1x!tpu.dma_semaphore, #tpu.memory_space<semaphore_mem>> -> memref<!tpu.dma_semaphore, #tpu.memory_space<semaphore_mem>>
      %dma_start3A_150 = arith.constant 0 : i32
      %dma_start3A_151 = tpu.memref_slice %arg4[%mul3A_139, %dma_start3A_150] : memref<1638400x64xf32, #tpu.memory_space<hbm>> -> memref<128x64xf32, #tpu.memory_space<hbm>>
      %dma_start3A_152 = arith.constant 0 : i32
      %dma_start3A_153 = arith.constant 0 : i32
      %dma_start3A_154 = tpu.memref_slice %arg6[%dma_start3A_140, %dma_start3A_152, %dma_start3A_153] : memref<8x128x64xf32, #tpu.memory_space<vmem>> -> memref<1x128x64xf32, #tpu.memory_space<vmem>>
      %dma_start3A_155 = tpu.memref_squeeze %dma_start3A_154 : memref<1x128x64xf32, #tpu.memory_space<vmem>> -> memref<128x64xf32, #tpu.memory_space<vmem>>
      tpu.enqueue_dma source(%dma_start3A_155 : memref<128x64xf32, #tpu.memory_space<vmem>>) target(%dma_start3A_151 : memref<128x64xf32, #tpu.memory_space<hbm>>) target_semaphore(%dma_start3A_149 : memref<!tpu.dma_semaphore, #tpu.memory_space<semaphore_mem>>)
      %mul3A_156 = arith.constant 8 : i32
      %mul3A_157 = arith.muli %scan3A_114, %mul3A_156 : i32
      %add3A_158 = arith.constant 1 : i32
      %add3A_159 = arith.addi %mul3A_157, %add3A_158 : i32
      %dma_wait3A_160 = arith.constant 1 : i32
      %dma_wait3A_161 = arith.constant 1 : i32
      %dma_wait3A_162 = arith.constant 0 : i32
      %dma_wait3A_163 = arith.constant 0 : i32
      %dma_wait3A_164 = tpu.memref_slice %arg6[%dma_wait3A_160, %dma_wait3A_162, %dma_wait3A_163] : memref<8x128x64xf32, #tpu.memory_space<vmem>> -> memref<1x128x64xf32, #tpu.memory_space<vmem>>
      %dma_wait3A_165 = tpu.memref_squeeze %dma_wait3A_164 : memref<1x128x64xf32, #tpu.memory_space<vmem>> -> memref<128x64xf32, #tpu.memory_space<vmem>>
      %dma_wait3A_166 = arith.constant 0 : i32
      %dma_wait3A_167 = arith.constant 0 : i32
      %dma_wait3A_168 = tpu.memref_slice %arg3[%dma_wait3A_166, %dma_wait3A_167] : memref<800000x64xf32, #tpu.memory_space<hbm>> -> memref<128x64xf32, #tpu.memory_space<hbm>>
      %dma_wait3A_169 = tpu.memref_slice %arg7[%dma_wait3A_161] : memref<8x!tpu.dma_semaphore, #tpu.memory_space<semaphore_mem>> -> memref<1x!tpu.dma_semaphore, #tpu.memory_space<semaphore_mem>>
      %dma_wait3A_170 = tpu.memref_squeeze %dma_wait3A_169 : memref<1x!tpu.dma_semaphore, #tpu.memory_space<semaphore_mem>> -> memref<!tpu.dma_semaphore, #tpu.memory_space<semaphore_mem>>
      %dma_wait3A_171 = arith.constant 0 : i32
      %dma_wait3A_172 = arith.constant 0 : i32
      %dma_wait3A_173 = tpu.memref_slice %arg6[%dma_wait3A_160, %dma_wait3A_171, %dma_wait3A_172] : memref<8x128x64xf32, #tpu.memory_space<vmem>> -> memref<1x128x64xf32, #tpu.memory_space<vmem>>
      %dma_wait3A_174 = tpu.memref_squeeze %dma_wait3A_173 : memref<1x128x64xf32, #tpu.memory_space<vmem>> -> memref<128x64xf32, #tpu.memory_space<vmem>>
      %dma_wait3A_175 = arith.constant 0 : i32
      %dma_wait3A_176 = arith.constant 0 : i32
      %dma_wait3A_177 = tpu.memref_slice %arg3[%dma_wait3A_175, %dma_wait3A_176] : memref<800000x64xf32, #tpu.memory_space<hbm>> -> memref<128x64xf32, #tpu.memory_space<hbm>>
      tpu.wait_dma2 semaphore(%dma_wait3A_170 : memref<!tpu.dma_semaphore, #tpu.memory_space<semaphore_mem>>) src(%dma_wait3A_177 : memref<128x64xf32, #tpu.memory_space<hbm>>) dst(%dma_wait3A_174 : memref<128x64xf32, #tpu.memory_space<vmem>>)
      %add3A_178 = arith.addi %mul3A_2, %add3A_159 : i32
      %mul3A_179 = arith.constant 128 : i32
      %mul3A_180 = arith.muli %add3A_178, %mul3A_179 : i32
      %dma_start3A_181 = arith.constant 1 : i32
      %dma_start3A_182 = arith.constant 1 : i32
      %dma_start3A_183 = arith.constant 0 : i32
      %dma_start3A_184 = arith.constant 0 : i32
      %dma_start3A_185 = tpu.memref_slice %arg6[%dma_start3A_181, %dma_start3A_183, %dma_start3A_184] : memref<8x128x64xf32, #tpu.memory_space<vmem>> -> memref<1x128x64xf32, #tpu.memory_space<vmem>>
      %dma_start3A_186 = tpu.memref_squeeze %dma_start3A_185 : memref<1x128x64xf32, #tpu.memory_space<vmem>> -> memref<128x64xf32, #tpu.memory_space<vmem>>
      %dma_start3A_187 = arith.constant 0 : i32
      %dma_start3A_188 = tpu.memref_slice %arg4[%mul3A_180, %dma_start3A_187] : memref<1638400x64xf32, #tpu.memory_space<hbm>> -> memref<128x64xf32, #tpu.memory_space<hbm>>
      %dma_start3A_189 = tpu.memref_slice %arg8[%dma_start3A_182] : memref<8x!tpu.dma_semaphore, #tpu.memory_space<semaphore_mem>> -> memref<1x!tpu.dma_semaphore, #tpu.memory_space<semaphore_mem>>
      %dma_start3A_190 = tpu.memref_squeeze %dma_start3A_189 : memref<1x!tpu.dma_semaphore, #tpu.memory_space<semaphore_mem>> -> memref<!tpu.dma_semaphore, #tpu.memory_space<semaphore_mem>>
      %dma_start3A_191 = arith.constant 0 : i32
      %dma_start3A_192 = tpu.memref_slice %arg4[%mul3A_180, %dma_start3A_191] : memref<1638400x64xf32, #tpu.memory_space<hbm>> -> memref<128x64xf32, #tpu.memory_space<hbm>>
      %dma_start3A_193 = arith.constant 0 : i32
      %dma_start3A_194 = arith.constant 0 : i32
      %dma_start3A_195 = tpu.memref_slice %arg6[%dma_start3A_181, %dma_start3A_193, %dma_start3A_194] : memref<8x128x64xf32, #tpu.memory_space<vmem>> -> memref<1x128x64xf32, #tpu.memory_space<vmem>>
      %dma_start3A_196 = tpu.memref_squeeze %dma_start3A_195 : memref<1x128x64xf32, #tpu.memory_space<vmem>> -> memref<128x64xf32, #tpu.memory_space<vmem>>
      tpu.enqueue_dma source(%dma_start3A_196 : memref<128x64xf32, #tpu.memory_space<vmem>>) target(%dma_start3A_192 : memref<128x64xf32, #tpu.memory_space<hbm>>) target_semaphore(%dma_start3A_190 : memref<!tpu.dma_semaphore, #tpu.memory_space<semaphore_mem>>)
      %mul3A_197 = arith.constant 8 : i32
      %mul3A_198 = arith.muli %scan3A_114, %mul3A_197 : i32
      %add3A_199 = arith.constant 2 : i32
      %add3A_200 = arith.addi %mul3A_198, %add3A_199 : i32
      %dma_wait3A_201 = arith.constant 2 : i32
      %dma_wait3A_202 = arith.constant 2 : i32
      %dma_wait3A_203 = arith.constant 0 : i32
      %dma_wait3A_204 = arith.constant 0 : i32
      %dma_wait3A_205 = tpu.memref_slice %arg6[%dma_wait3A_201, %dma_wait3A_203, %dma_wait3A_204] : memref<8x128x64xf32, #tpu.memory_space<vmem>> -> memref<1x128x64xf32, #tpu.memory_space<vmem>>
      %dma_wait3A_206 = tpu.memref_squeeze %dma_wait3A_205 : memref<1x128x64xf32, #tpu.memory_space<vmem>> -> memref<128x64xf32, #tpu.memory_space<vmem>>
      %dma_wait3A_207 = arith.constant 0 : i32
      %dma_wait3A_208 = arith.constant 0 : i32
      %dma_wait3A_209 = tpu.memref_slice %arg3[%dma_wait3A_207, %dma_wait3A_208] : memref<800000x64xf32, #tpu.memory_space<hbm>> -> memref<128x64xf32, #tpu.memory_space<hbm>>
      %dma_wait3A_210 = tpu.memref_slice %arg7[%dma_wait3A_202] : memref<8x!tpu.dma_semaphore, #tpu.memory_space<semaphore_mem>> -> memref<1x!tpu.dma_semaphore, #tpu.memory_space<semaphore_mem>>
      %dma_wait3A_211 = tpu.memref_squeeze %dma_wait3A_210 : memref<1x!tpu.dma_semaphore, #tpu.memory_space<semaphore_mem>> -> memref<!tpu.dma_semaphore, #tpu.memory_space<semaphore_mem>>
      %dma_wait3A_212 = arith.constant 0 : i32
      %dma_wait3A_213 = arith.constant 0 : i32
      %dma_wait3A_214 = tpu.memref_slice %arg6[%dma_wait3A_201, %dma_wait3A_212, %dma_wait3A_213] : memref<8x128x64xf32, #tpu.memory_space<vmem>> -> memref<1x128x64xf32, #tpu.memory_space<vmem>>
      %dma_wait3A_215 = tpu.memref_squeeze %dma_wait3A_214 : memref<1x128x64xf32, #tpu.memory_space<vmem>> -> memref<128x64xf32, #tpu.memory_space<vmem>>
      %dma_wait3A_216 = arith.constant 0 : i32
      %dma_wait3A_217 = arith.constant 0 : i32
      %dma_wait3A_218 = tpu.memref_slice %arg3[%dma_wait3A_216, %dma_wait3A_217] : memref<800000x64xf32, #tpu.memory_space<hbm>> -> memref<128x64xf32, #tpu.memory_space<hbm>>
      tpu.wait_dma2 semaphore(%dma_wait3A_211 : memref<!tpu.dma_semaphore, #tpu.memory_space<semaphore_mem>>) src(%dma_wait3A_218 : memref<128x64xf32, #tpu.memory_space<hbm>>) dst(%dma_wait3A_215 : memref<128x64xf32, #tpu.memory_space<vmem>>)
      %add3A_219 = arith.addi %mul3A_2, %add3A_200 : i32
      %mul3A_220 = arith.constant 128 : i32
      %mul3A_221 = arith.muli %add3A_219, %mul3A_220 : i32
      %dma_start3A_222 = arith.constant 2 : i32
      %dma_start3A_223 = arith.constant 2 : i32
      %dma_start3A_224 = arith.constant 0 : i32
      %dma_start3A_225 = arith.constant 0 : i32
      %dma_start3A_226 = tpu.memref_slice %arg6[%dma_start3A_222, %dma_start3A_224, %dma_start3A_225] : memref<8x128x64xf32, #tpu.memory_space<vmem>> -> memref<1x128x64xf32, #tpu.memory_space<vmem>>
      %dma_start3A_227 = tpu.memref_squeeze %dma_start3A_226 : memref<1x128x64xf32, #tpu.memory_space<vmem>> -> memref<128x64xf32, #tpu.memory_space<vmem>>
      %dma_start3A_228 = arith.constant 0 : i32
      %dma_start3A_229 = tpu.memref_slice %arg4[%mul3A_221, %dma_start3A_228] : memref<1638400x64xf32, #tpu.memory_space<hbm>> -> memref<128x64xf32, #tpu.memory_space<hbm>>
      %dma_start3A_230 = tpu.memref_slice %arg8[%dma_start3A_223] : memref<8x!tpu.dma_semaphore, #tpu.memory_space<semaphore_mem>> -> memref<1x!tpu.dma_semaphore, #tpu.memory_space<semaphore_mem>>
      %dma_start3A_231 = tpu.memref_squeeze %dma_start3A_230 : memref<1x!tpu.dma_semaphore, #tpu.memory_space<semaphore_mem>> -> memref<!tpu.dma_semaphore, #tpu.memory_space<semaphore_mem>>
      %dma_start3A_232 = arith.constant 0 : i32
      %dma_start3A_233 = tpu.memref_slice %arg4[%mul3A_221, %dma_start3A_232] : memref<1638400x64xf32, #tpu.memory_space<hbm>> -> memref<128x64xf32, #tpu.memory_space<hbm>>
      %dma_start3A_234 = arith.constant 0 : i32
      %dma_start3A_235 = arith.constant 0 : i32
      %dma_start3A_236 = tpu.memref_slice %arg6[%dma_start3A_222, %dma_start3A_234, %dma_start3A_235] : memref<8x128x64xf32, #tpu.memory_space<vmem>> -> memref<1x128x64xf32, #tpu.memory_space<vmem>>
      %dma_start3A_237 = tpu.memref_squeeze %dma_start3A_236 : memref<1x128x64xf32, #tpu.memory_space<vmem>> -> memref<128x64xf32, #tpu.memory_space<vmem>>
      tpu.enqueue_dma source(%dma_start3A_237 : memref<128x64xf32, #tpu.memory_space<vmem>>) target(%dma_start3A_233 : memref<128x64xf32, #tpu.memory_space<hbm>>) target_semaphore(%dma_start3A_231 : memref<!tpu.dma_semaphore, #tpu.memory_space<semaphore_mem>>)
      %mul3A_238 = arith.constant 8 : i32
      %mul3A_239 = arith.muli %scan3A_114, %mul3A_238 : i32
      %add3A_240 = arith.constant 3 : i32
      %add3A_241 = arith.addi %mul3A_239, %add3A_240 : i32
      %dma_wait3A_242 = arith.constant 3 : i32
      %dma_wait3A_243 = arith.constant 3 : i32
      %dma_wait3A_244 = arith.constant 0 : i32
      %dma_wait3A_245 = arith.constant 0 : i32
      %dma_wait3A_246 = tpu.memref_slice %arg6[%dma_wait3A_242, %dma_wait3A_244, %dma_wait3A_245] : memref<8x128x64xf32, #tpu.memory_space<vmem>> -> memref<1x128x64xf32, #tpu.memory_space<vmem>>
      %dma_wait3A_247 = tpu.memref_squeeze %dma_wait3A_246 : memref<1x128x64xf32, #tpu.memory_space<vmem>> -> memref<128x64xf32, #tpu.memory_space<vmem>>
      %dma_wait3A_248 = arith.constant 0 : i32
      %dma_wait3A_249 = arith.constant 0 : i32
      %dma_wait3A_250 = tpu.memref_slice %arg3[%dma_wait3A_248, %dma_wait3A_249] : memref<800000x64xf32, #tpu.memory_space<hbm>> -> memref<128x64xf32, #tpu.memory_space<hbm>>
      %dma_wait3A_251 = tpu.memref_slice %arg7[%dma_wait3A_243] : memref<8x!tpu.dma_semaphore, #tpu.memory_space<semaphore_mem>> -> memref<1x!tpu.dma_semaphore, #tpu.memory_space<semaphore_mem>>
      %dma_wait3A_252 = tpu.memref_squeeze %dma_wait3A_251 : memref<1x!tpu.dma_semaphore, #tpu.memory_space<semaphore_mem>> -> memref<!tpu.dma_semaphore, #tpu.memory_space<semaphore_mem>>
      %dma_wait3A_253 = arith.constant 0 : i32
      %dma_wait3A_254 = arith.constant 0 : i32
      %dma_wait3A_255 = tpu.memref_slice %arg6[%dma_wait3A_242, %dma_wait3A_253, %dma_wait3A_254] : memref<8x128x64xf32, #tpu.memory_space<vmem>> -> memref<1x128x64xf32, #tpu.memory_space<vmem>>
      %dma_wait3A_256 = tpu.memref_squeeze %dma_wait3A_255 : memref<1x128x64xf32, #tpu.memory_space<vmem>> -> memref<128x64xf32, #tpu.memory_space<vmem>>
      %dma_wait3A_257 = arith.constant 0 : i32
      %dma_wait3A_258 = arith.constant 0 : i32
      %dma_wait3A_259 = tpu.memref_slice %arg3[%dma_wait3A_257, %dma_wait3A_258] : memref<800000x64xf32, #tpu.memory_space<hbm>> -> memref<128x64xf32, #tpu.memory_space<hbm>>
      tpu.wait_dma2 semaphore(%dma_wait3A_252 : memref<!tpu.dma_semaphore, #tpu.memory_space<semaphore_mem>>) src(%dma_wait3A_259 : memref<128x64xf32, #tpu.memory_space<hbm>>) dst(%dma_wait3A_256 : memref<128x64xf32, #tpu.memory_space<vmem>>)
      %add3A_260 = arith.addi %mul3A_2, %add3A_241 : i32
      %mul3A_261 = arith.constant 128 : i32
      %mul3A_262 = arith.muli %add3A_260, %mul3A_261 : i32
      %dma_start3A_263 = arith.constant 3 : i32
      %dma_start3A_264 = arith.constant 3 : i32
      %dma_start3A_265 = arith.constant 0 : i32
      %dma_start3A_266 = arith.constant 0 : i32
      %dma_start3A_267 = tpu.memref_slice %arg6[%dma_start3A_263, %dma_start3A_265, %dma_start3A_266] : memref<8x128x64xf32, #tpu.memory_space<vmem>> -> memref<1x128x64xf32, #tpu.memory_space<vmem>>
      %dma_start3A_268 = tpu.memref_squeeze %dma_start3A_267 : memref<1x128x64xf32, #tpu.memory_space<vmem>> -> memref<128x64xf32, #tpu.memory_space<vmem>>
      %dma_start3A_269 = arith.constant 0 : i32
      %dma_start3A_270 = tpu.memref_slice %arg4[%mul3A_262, %dma_start3A_269] : memref<1638400x64xf32, #tpu.memory_space<hbm>> -> memref<128x64xf32, #tpu.memory_space<hbm>>
      %dma_start3A_271 = tpu.memref_slice %arg8[%dma_start3A_264] : memref<8x!tpu.dma_semaphore, #tpu.memory_space<semaphore_mem>> -> memref<1x!tpu.dma_semaphore, #tpu.memory_space<semaphore_mem>>
      %dma_start3A_272 = tpu.memref_squeeze %dma_start3A_271 : memref<1x!tpu.dma_semaphore, #tpu.memory_space<semaphore_mem>> -> memref<!tpu.dma_semaphore, #tpu.memory_space<semaphore_mem>>
      %dma_start3A_273 = arith.constant 0 : i32
      %dma_start3A_274 = tpu.memref_slice %arg4[%mul3A_262, %dma_start3A_273] : memref<1638400x64xf32, #tpu.memory_space<hbm>> -> memref<128x64xf32, #tpu.memory_space<hbm>>
      %dma_start3A_275 = arith.constant 0 : i32
      %dma_start3A_276 = arith.constant 0 : i32
      %dma_start3A_277 = tpu.memref_slice %arg6[%dma_start3A_263, %dma_start3A_275, %dma_start3A_276] : memref<8x128x64xf32, #tpu.memory_space<vmem>> -> memref<1x128x64xf32, #tpu.memory_space<vmem>>
      %dma_start3A_278 = tpu.memref_squeeze %dma_start3A_277 : memref<1x128x64xf32, #tpu.memory_space<vmem>> -> memref<128x64xf32, #tpu.memory_space<vmem>>
      tpu.enqueue_dma source(%dma_start3A_278 : memref<128x64xf32, #tpu.memory_space<vmem>>) target(%dma_start3A_274 : memref<128x64xf32, #tpu.memory_space<hbm>>) target_semaphore(%dma_start3A_272 : memref<!tpu.dma_semaphore, #tpu.memory_space<semaphore_mem>>)
      %mul3A_279 = arith.constant 8 : i32
      %mul3A_280 = arith.muli %scan3A_114, %mul3A_279 : i32
      %add3A_281 = arith.constant 4 : i32
      %add3A_282 = arith.addi %mul3A_280, %add3A_281 : i32
      %dma_wait3A_283 = arith.constant 4 : i32
      %dma_wait3A_284 = arith.constant 4 : i32
      %dma_wait3A_285 = arith.constant 0 : i32
      %dma_wait3A_286 = arith.constant 0 : i32
      %dma_wait3A_287 = tpu.memref_slice %arg6[%dma_wait3A_283, %dma_wait3A_285, %dma_wait3A_286] : memref<8x128x64xf32, #tpu.memory_space<vmem>> -> memref<1x128x64xf32, #tpu.memory_space<vmem>>
      %dma_wait3A_288 = tpu.memref_squeeze %dma_wait3A_287 : memref<1x128x64xf32, #tpu.memory_space<vmem>> -> memref<128x64xf32, #tpu.memory_space<vmem>>
      %dma_wait3A_289 = arith.constant 0 : i32
      %dma_wait3A_290 = arith.constant 0 : i32
      %dma_wait3A_291 = tpu.memref_slice %arg3[%dma_wait3A_289, %dma_wait3A_290] : memref<800000x64xf32, #tpu.memory_space<hbm>> -> memref<128x64xf32, #tpu.memory_space<hbm>>
      %dma_wait3A_292 = tpu.memref_slice %arg7[%dma_wait3A_284] : memref<8x!tpu.dma_semaphore, #tpu.memory_space<semaphore_mem>> -> memref<1x!tpu.dma_semaphore, #tpu.memory_space<semaphore_mem>>
      %dma_wait3A_293 = tpu.memref_squeeze %dma_wait3A_292 : memref<1x!tpu.dma_semaphore, #tpu.memory_space<semaphore_mem>> -> memref<!tpu.dma_semaphore, #tpu.memory_space<semaphore_mem>>
      %dma_wait3A_294 = arith.constant 0 : i32
      %dma_wait3A_295 = arith.constant 0 : i32
      %dma_wait3A_296 = tpu.memref_slice %arg6[%dma_wait3A_283, %dma_wait3A_294, %dma_wait3A_295] : memref<8x128x64xf32, #tpu.memory_space<vmem>> -> memref<1x128x64xf32, #tpu.memory_space<vmem>>
      %dma_wait3A_297 = tpu.memref_squeeze %dma_wait3A_296 : memref<1x128x64xf32, #tpu.memory_space<vmem>> -> memref<128x64xf32, #tpu.memory_space<vmem>>
      %dma_wait3A_298 = arith.constant 0 : i32
      %dma_wait3A_299 = arith.constant 0 : i32
      %dma_wait3A_300 = tpu.memref_slice %arg3[%dma_wait3A_298, %dma_wait3A_299] : memref<800000x64xf32, #tpu.memory_space<hbm>> -> memref<128x64xf32, #tpu.memory_space<hbm>>
      tpu.wait_dma2 semaphore(%dma_wait3A_293 : memref<!tpu.dma_semaphore, #tpu.memory_space<semaphore_mem>>) src(%dma_wait3A_300 : memref<128x64xf32, #tpu.memory_space<hbm>>) dst(%dma_wait3A_297 : memref<128x64xf32, #tpu.memory_space<vmem>>)
      %add3A_301 = arith.addi %mul3A_2, %add3A_282 : i32
      %mul3A_302 = arith.constant 128 : i32
      %mul3A_303 = arith.muli %add3A_301, %mul3A_302 : i32
      %dma_start3A_304 = arith.constant 4 : i32
      %dma_start3A_305 = arith.constant 4 : i32
      %dma_start3A_306 = arith.constant 0 : i32
      %dma_start3A_307 = arith.constant 0 : i32
      %dma_start3A_308 = tpu.memref_slice %arg6[%dma_start3A_304, %dma_start3A_306, %dma_start3A_307] : memref<8x128x64xf32, #tpu.memory_space<vmem>> -> memref<1x128x64xf32, #tpu.memory_space<vmem>>
      %dma_start3A_309 = tpu.memref_squeeze %dma_start3A_308 : memref<1x128x64xf32, #tpu.memory_space<vmem>> -> memref<128x64xf32, #tpu.memory_space<vmem>>
      %dma_start3A_310 = arith.constant 0 : i32
      %dma_start3A_311 = tpu.memref_slice %arg4[%mul3A_303, %dma_start3A_310] : memref<1638400x64xf32, #tpu.memory_space<hbm>> -> memref<128x64xf32, #tpu.memory_space<hbm>>
      %dma_start3A_312 = tpu.memref_slice %arg8[%dma_start3A_305] : memref<8x!tpu.dma_semaphore, #tpu.memory_space<semaphore_mem>> -> memref<1x!tpu.dma_semaphore, #tpu.memory_space<semaphore_mem>>
      %dma_start3A_313 = tpu.memref_squeeze %dma_start3A_312 : memref<1x!tpu.dma_semaphore, #tpu.memory_space<semaphore_mem>> -> memref<!tpu.dma_semaphore, #tpu.memory_space<semaphore_mem>>
      %dma_start3A_314 = arith.constant 0 : i32
      %dma_start3A_315 = tpu.memref_slice %arg4[%mul3A_303, %dma_start3A_314] : memref<1638400x64xf32, #tpu.memory_space<hbm>> -> memref<128x64xf32, #tpu.memory_space<hbm>>
      %dma_start3A_316 = arith.constant 0 : i32
      %dma_start3A_317 = arith.constant 0 : i32
      %dma_start3A_318 = tpu.memref_slice %arg6[%dma_start3A_304, %dma_start3A_316, %dma_start3A_317] : memref<8x128x64xf32, #tpu.memory_space<vmem>> -> memref<1x128x64xf32, #tpu.memory_space<vmem>>
      %dma_start3A_319 = tpu.memref_squeeze %dma_start3A_318 : memref<1x128x64xf32, #tpu.memory_space<vmem>> -> memref<128x64xf32, #tpu.memory_space<vmem>>
      tpu.enqueue_dma source(%dma_start3A_319 : memref<128x64xf32, #tpu.memory_space<vmem>>) target(%dma_start3A_315 : memref<128x64xf32, #tpu.memory_space<hbm>>) target_semaphore(%dma_start3A_313 : memref<!tpu.dma_semaphore, #tpu.memory_space<semaphore_mem>>)
      %mul3A_320 = arith.constant 8 : i32
      %mul3A_321 = arith.muli %scan3A_114, %mul3A_320 : i32
      %add3A_322 = arith.constant 5 : i32
      %add3A_323 = arith.addi %mul3A_321, %add3A_322 : i32
      %dma_wait3A_324 = arith.constant 5 : i32
      %dma_wait3A_325 = arith.constant 5 : i32
      %dma_wait3A_326 = arith.constant 0 : i32
      %dma_wait3A_327 = arith.constant 0 : i32
      %dma_wait3A_328 = tpu.memref_slice %arg6[%dma_wait3A_324, %dma_wait3A_326, %dma_wait3A_327] : memref<8x128x64xf32, #tpu.memory_space<vmem>> -> memref<1x128x64xf32, #tpu.memory_space<vmem>>
      %dma_wait3A_329 = tpu.memref_squeeze %dma_wait3A_328 : memref<1x128x64xf32, #tpu.memory_space<vmem>> -> memref<128x64xf32, #tpu.memory_space<vmem>>
      %dma_wait3A_330 = arith.constant 0 : i32
      %dma_wait3A_331 = arith.constant 0 : i32
      %dma_wait3A_332 = tpu.memref_slice %arg3[%dma_wait3A_330, %dma_wait3A_331] : memref<800000x64xf32, #tpu.memory_space<hbm>> -> memref<128x64xf32, #tpu.memory_space<hbm>>
      %dma_wait3A_333 = tpu.memref_slice %arg7[%dma_wait3A_325] : memref<8x!tpu.dma_semaphore, #tpu.memory_space<semaphore_mem>> -> memref<1x!tpu.dma_semaphore, #tpu.memory_space<semaphore_mem>>
      %dma_wait3A_334 = tpu.memref_squeeze %dma_wait3A_333 : memref<1x!tpu.dma_semaphore, #tpu.memory_space<semaphore_mem>> -> memref<!tpu.dma_semaphore, #tpu.memory_space<semaphore_mem>>
      %dma_wait3A_335 = arith.constant 0 : i32
      %dma_wait3A_336 = arith.constant 0 : i32
      %dma_wait3A_337 = tpu.memref_slice %arg6[%dma_wait3A_324, %dma_wait3A_335, %dma_wait3A_336] : memref<8x128x64xf32, #tpu.memory_space<vmem>> -> memref<1x128x64xf32, #tpu.memory_space<vmem>>
      %dma_wait3A_338 = tpu.memref_squeeze %dma_wait3A_337 : memref<1x128x64xf32, #tpu.memory_space<vmem>> -> memref<128x64xf32, #tpu.memory_space<vmem>>
      %dma_wait3A_339 = arith.constant 0 : i32
      %dma_wait3A_340 = arith.constant 0 : i32
      %dma_wait3A_341 = tpu.memref_slice %arg3[%dma_wait3A_339, %dma_wait3A_340] : memref<800000x64xf32, #tpu.memory_space<hbm>> -> memref<128x64xf32, #tpu.memory_space<hbm>>
      tpu.wait_dma2 semaphore(%dma_wait3A_334 : memref<!tpu.dma_semaphore, #tpu.memory_space<semaphore_mem>>) src(%dma_wait3A_341 : memref<128x64xf32, #tpu.memory_space<hbm>>) dst(%dma_wait3A_338 : memref<128x64xf32, #tpu.memory_space<vmem>>)
      %add3A_342 = arith.addi %mul3A_2, %add3A_323 : i32
      %mul3A_343 = arith.constant 128 : i32
      %mul3A_344 = arith.muli %add3A_342, %mul3A_343 : i32
      %dma_start3A_345 = arith.constant 5 : i32
      %dma_start3A_346 = arith.constant 5 : i32
      %dma_start3A_347 = arith.constant 0 : i32
      %dma_start3A_348 = arith.constant 0 : i32
      %dma_start3A_349 = tpu.memref_slice %arg6[%dma_start3A_345, %dma_start3A_347, %dma_start3A_348] : memref<8x128x64xf32, #tpu.memory_space<vmem>> -> memref<1x128x64xf32, #tpu.memory_space<vmem>>
      %dma_start3A_350 = tpu.memref_squeeze %dma_start3A_349 : memref<1x128x64xf32, #tpu.memory_space<vmem>> -> memref<128x64xf32, #tpu.memory_space<vmem>>
      %dma_start3A_351 = arith.constant 0 : i32
      %dma_start3A_352 = tpu.memref_slice %arg4[%mul3A_344, %dma_start3A_351] : memref<1638400x64xf32, #tpu.memory_space<hbm>> -> memref<128x64xf32, #tpu.memory_space<hbm>>
      %dma_start3A_353 = tpu.memref_slice %arg8[%dma_start3A_346] : memref<8x!tpu.dma_semaphore, #tpu.memory_space<semaphore_mem>> -> memref<1x!tpu.dma_semaphore, #tpu.memory_space<semaphore_mem>>
      %dma_start3A_354 = tpu.memref_squeeze %dma_start3A_353 : memref<1x!tpu.dma_semaphore, #tpu.memory_space<semaphore_mem>> -> memref<!tpu.dma_semaphore, #tpu.memory_space<semaphore_mem>>
      %dma_start3A_355 = arith.constant 0 : i32
      %dma_start3A_356 = tpu.memref_slice %arg4[%mul3A_344, %dma_start3A_355] : memref<1638400x64xf32, #tpu.memory_space<hbm>> -> memref<128x64xf32, #tpu.memory_space<hbm>>
      %dma_start3A_357 = arith.constant 0 : i32
      %dma_start3A_358 = arith.constant 0 : i32
      %dma_start3A_359 = tpu.memref_slice %arg6[%dma_start3A_345, %dma_start3A_357, %dma_start3A_358] : memref<8x128x64xf32, #tpu.memory_space<vmem>> -> memref<1x128x64xf32, #tpu.memory_space<vmem>>
      %dma_start3A_360 = tpu.memref_squeeze %dma_start3A_359 : memref<1x128x64xf32, #tpu.memory_space<vmem>> -> memref<128x64xf32, #tpu.memory_space<vmem>>
      tpu.enqueue_dma source(%dma_start3A_360 : memref<128x64xf32, #tpu.memory_space<vmem>>) target(%dma_start3A_356 : memref<128x64xf32, #tpu.memory_space<hbm>>) target_semaphore(%dma_start3A_354 : memref<!tpu.dma_semaphore, #tpu.memory_space<semaphore_mem>>)
      %mul3A_361 = arith.constant 8 : i32
      %mul3A_362 = arith.muli %scan3A_114, %mul3A_361 : i32
      %add3A_363 = arith.constant 6 : i32
      %add3A_364 = arith.addi %mul3A_362, %add3A_363 : i32
      %dma_wait3A_365 = arith.constant 6 : i32
      %dma_wait3A_366 = arith.constant 6 : i32
      %dma_wait3A_367 = arith.constant 0 : i32
      %dma_wait3A_368 = arith.constant 0 : i32
      %dma_wait3A_369 = tpu.memref_slice %arg6[%dma_wait3A_365, %dma_wait3A_367, %dma_wait3A_368] : memref<8x128x64xf32, #tpu.memory_space<vmem>> -> memref<1x128x64xf32, #tpu.memory_space<vmem>>
      %dma_wait3A_370 = tpu.memref_squeeze %dma_wait3A_369 : memref<1x128x64xf32, #tpu.memory_space<vmem>> -> memref<128x64xf32, #tpu.memory_space<vmem>>
      %dma_wait3A_371 = arith.constant 0 : i32
      %dma_wait3A_372 = arith.constant 0 : i32
      %dma_wait3A_373 = tpu.memref_slice %arg3[%dma_wait3A_371, %dma_wait3A_372] : memref<800000x64xf32, #tpu.memory_space<hbm>> -> memref<128x64xf32, #tpu.memory_space<hbm>>
      %dma_wait3A_374 = tpu.memref_slice %arg7[%dma_wait3A_366] : memref<8x!tpu.dma_semaphore, #tpu.memory_space<semaphore_mem>> -> memref<1x!tpu.dma_semaphore, #tpu.memory_space<semaphore_mem>>
      %dma_wait3A_375 = tpu.memref_squeeze %dma_wait3A_374 : memref<1x!tpu.dma_semaphore, #tpu.memory_space<semaphore_mem>> -> memref<!tpu.dma_semaphore, #tpu.memory_space<semaphore_mem>>
      %dma_wait3A_376 = arith.constant 0 : i32
      %dma_wait3A_377 = arith.constant 0 : i32
      %dma_wait3A_378 = tpu.memref_slice %arg6[%dma_wait3A_365, %dma_wait3A_376, %dma_wait3A_377] : memref<8x128x64xf32, #tpu.memory_space<vmem>> -> memref<1x128x64xf32, #tpu.memory_space<vmem>>
      %dma_wait3A_379 = tpu.memref_squeeze %dma_wait3A_378 : memref<1x128x64xf32, #tpu.memory_space<vmem>> -> memref<128x64xf32, #tpu.memory_space<vmem>>
      %dma_wait3A_380 = arith.constant 0 : i32
      %dma_wait3A_381 = arith.constant 0 : i32
      %dma_wait3A_382 = tpu.memref_slice %arg3[%dma_wait3A_380, %dma_wait3A_381] : memref<800000x64xf32, #tpu.memory_space<hbm>> -> memref<128x64xf32, #tpu.memory_space<hbm>>
      tpu.wait_dma2 semaphore(%dma_wait3A_375 : memref<!tpu.dma_semaphore, #tpu.memory_space<semaphore_mem>>) src(%dma_wait3A_382 : memref<128x64xf32, #tpu.memory_space<hbm>>) dst(%dma_wait3A_379 : memref<128x64xf32, #tpu.memory_space<vmem>>)
      %add3A_383 = arith.addi %mul3A_2, %add3A_364 : i32
      %mul3A_384 = arith.constant 128 : i32
      %mul3A_385 = arith.muli %add3A_383, %mul3A_384 : i32
      %dma_start3A_386 = arith.constant 6 : i32
      %dma_start3A_387 = arith.constant 6 : i32
      %dma_start3A_388 = arith.constant 0 : i32
      %dma_start3A_389 = arith.constant 0 : i32
      %dma_start3A_390 = tpu.memref_slice %arg6[%dma_start3A_386, %dma_start3A_388, %dma_start3A_389] : memref<8x128x64xf32, #tpu.memory_space<vmem>> -> memref<1x128x64xf32, #tpu.memory_space<vmem>>
      %dma_start3A_391 = tpu.memref_squeeze %dma_start3A_390 : memref<1x128x64xf32, #tpu.memory_space<vmem>> -> memref<128x64xf32, #tpu.memory_space<vmem>>
      %dma_start3A_392 = arith.constant 0 : i32
      %dma_start3A_393 = tpu.memref_slice %arg4[%mul3A_385, %dma_start3A_392] : memref<1638400x64xf32, #tpu.memory_space<hbm>> -> memref<128x64xf32, #tpu.memory_space<hbm>>
      %dma_start3A_394 = tpu.memref_slice %arg8[%dma_start3A_387] : memref<8x!tpu.dma_semaphore, #tpu.memory_space<semaphore_mem>> -> memref<1x!tpu.dma_semaphore, #tpu.memory_space<semaphore_mem>>
      %dma_start3A_395 = tpu.memref_squeeze %dma_start3A_394 : memref<1x!tpu.dma_semaphore, #tpu.memory_space<semaphore_mem>> -> memref<!tpu.dma_semaphore, #tpu.memory_space<semaphore_mem>>
      %dma_start3A_396 = arith.constant 0 : i32
      %dma_start3A_397 = tpu.memref_slice %arg4[%mul3A_385, %dma_start3A_396] : memref<1638400x64xf32, #tpu.memory_space<hbm>> -> memref<128x64xf32, #tpu.memory_space<hbm>>
      %dma_start3A_398 = arith.constant 0 : i32
      %dma_start3A_399 = arith.constant 0 : i32
      %dma_start3A_400 = tpu.memref_slice %arg6[%dma_start3A_386, %dma_start3A_398, %dma_start3A_399] : memref<8x128x64xf32, #tpu.memory_space<vmem>> -> memref<1x128x64xf32, #tpu.memory_space<vmem>>
      %dma_start3A_401 = tpu.memref_squeeze %dma_start3A_400 : memref<1x128x64xf32, #tpu.memory_space<vmem>> -> memref<128x64xf32, #tpu.memory_space<vmem>>
      tpu.enqueue_dma source(%dma_start3A_401 : memref<128x64xf32, #tpu.memory_space<vmem>>) target(%dma_start3A_397 : memref<128x64xf32, #tpu.memory_space<hbm>>) target_semaphore(%dma_start3A_395 : memref<!tpu.dma_semaphore, #tpu.memory_space<semaphore_mem>>)
      %mul3A_402 = arith.constant 8 : i32
      %mul3A_403 = arith.muli %scan3A_114, %mul3A_402 : i32
      %add3A_404 = arith.constant 7 : i32
      %add3A_405 = arith.addi %mul3A_403, %add3A_404 : i32
      %dma_wait3A_406 = arith.constant 7 : i32
      %dma_wait3A_407 = arith.constant 7 : i32
      %dma_wait3A_408 = arith.constant 0 : i32
      %dma_wait3A_409 = arith.constant 0 : i32
      %dma_wait3A_410 = tpu.memref_slice %arg6[%dma_wait3A_406, %dma_wait3A_408, %dma_wait3A_409] : memref<8x128x64xf32, #tpu.memory_space<vmem>> -> memref<1x128x64xf32, #tpu.memory_space<vmem>>
      %dma_wait3A_411 = tpu.memref_squeeze %dma_wait3A_410 : memref<1x128x64xf32, #tpu.memory_space<vmem>> -> memref<128x64xf32, #tpu.memory_space<vmem>>
      %dma_wait3A_412 = arith.constant 0 : i32
      %dma_wait3A_413 = arith.constant 0 : i32
      %dma_wait3A_414 = tpu.memref_slice %arg3[%dma_wait3A_412, %dma_wait3A_413] : memref<800000x64xf32, #tpu.memory_space<hbm>> -> memref<128x64xf32, #tpu.memory_space<hbm>>
      %dma_wait3A_415 = tpu.memref_slice %arg7[%dma_wait3A_407] : memref<8x!tpu.dma_semaphore, #tpu.memory_space<semaphore_mem>> -> memref<1x!tpu.dma_semaphore, #tpu.memory_space<semaphore_mem>>
      %dma_wait3A_416 = tpu.memref_squeeze %dma_wait3A_415 : memref<1x!tpu.dma_semaphore, #tpu.memory_space<semaphore_mem>> -> memref<!tpu.dma_semaphore, #tpu.memory_space<semaphore_mem>>
      %dma_wait3A_417 = arith.constant 0 : i32
      %dma_wait3A_418 = arith.constant 0 : i32
      %dma_wait3A_419 = tpu.memref_slice %arg6[%dma_wait3A_406, %dma_wait3A_417, %dma_wait3A_418] : memref<8x128x64xf32, #tpu.memory_space<vmem>> -> memref<1x128x64xf32, #tpu.memory_space<vmem>>
      %dma_wait3A_420 = tpu.memref_squeeze %dma_wait3A_419 : memref<1x128x64xf32, #tpu.memory_space<vmem>> -> memref<128x64xf32, #tpu.memory_space<vmem>>
      %dma_wait3A_421 = arith.constant 0 : i32
      %dma_wait3A_422 = arith.constant 0 : i32
      %dma_wait3A_423 = tpu.memref_slice %arg3[%dma_wait3A_421, %dma_wait3A_422] : memref<800000x64xf32, #tpu.memory_space<hbm>> -> memref<128x64xf32, #tpu.memory_space<hbm>>
      tpu.wait_dma2 semaphore(%dma_wait3A_416 : memref<!tpu.dma_semaphore, #tpu.memory_space<semaphore_mem>>) src(%dma_wait3A_423 : memref<128x64xf32, #tpu.memory_space<hbm>>) dst(%dma_wait3A_420 : memref<128x64xf32, #tpu.memory_space<vmem>>)
      %add3A_424 = arith.addi %mul3A_2, %add3A_405 : i32
      %mul3A_425 = arith.constant 128 : i32
      %mul3A_426 = arith.muli %add3A_424, %mul3A_425 : i32
      %dma_start3A_427 = arith.constant 7 : i32
      %dma_start3A_428 = arith.constant 7 : i32
      %dma_start3A_429 = arith.constant 0 : i32
      %dma_start3A_430 = arith.constant 0 : i32
      %dma_start3A_431 = tpu.memref_slice %arg6[%dma_start3A_427, %dma_start3A_429, %dma_start3A_430] : memref<8x128x64xf32, #tpu.memory_space<vmem>> -> memref<1x128x64xf32, #tpu.memory_space<vmem>>
      %dma_start3A_432 = tpu.memref_squeeze %dma_start3A_431 : memref<1x128x64xf32, #tpu.memory_space<vmem>> -> memref<128x64xf32, #tpu.memory_space<vmem>>
      %dma_start3A_433 = arith.constant 0 : i32
      %dma_start3A_434 = tpu.memref_slice %arg4[%mul3A_426, %dma_start3A_433] : memref<1638400x64xf32, #tpu.memory_space<hbm>> -> memref<128x64xf32, #tpu.memory_space<hbm>>
      %dma_start3A_435 = tpu.memref_slice %arg8[%dma_start3A_428] : memref<8x!tpu.dma_semaphore, #tpu.memory_space<semaphore_mem>> -> memref<1x!tpu.dma_semaphore, #tpu.memory_space<semaphore_mem>>
      %dma_start3A_436 = tpu.memref_squeeze %dma_start3A_435 : memref<1x!tpu.dma_semaphore, #tpu.memory_space<semaphore_mem>> -> memref<!tpu.dma_semaphore, #tpu.memory_space<semaphore_mem>>
      %dma_start3A_437 = arith.constant 0 : i32
      %dma_start3A_438 = tpu.memref_slice %arg4[%mul3A_426, %dma_start3A_437] : memref<1638400x64xf32, #tpu.memory_space<hbm>> -> memref<128x64xf32, #tpu.memory_space<hbm>>
      %dma_start3A_439 = arith.constant 0 : i32
      %dma_start3A_440 = arith.constant 0 : i32
      %dma_start3A_441 = tpu.memref_slice %arg6[%dma_start3A_427, %dma_start3A_439, %dma_start3A_440] : memref<8x128x64xf32, #tpu.memory_space<vmem>> -> memref<1x128x64xf32, #tpu.memory_space<vmem>>
      %dma_start3A_442 = tpu.memref_squeeze %dma_start3A_441 : memref<1x128x64xf32, #tpu.memory_space<vmem>> -> memref<128x64xf32, #tpu.memory_space<vmem>>
      tpu.enqueue_dma source(%dma_start3A_442 : memref<128x64xf32, #tpu.memory_space<vmem>>) target(%dma_start3A_438 : memref<128x64xf32, #tpu.memory_space<hbm>>) target_semaphore(%dma_start3A_436 : memref<!tpu.dma_semaphore, #tpu.memory_space<semaphore_mem>>)
      %dma_wait3A_443 = arith.constant 0 : i32
      %dma_wait3A_444 = arith.constant 0 : i32
      %dma_wait3A_445 = arith.constant 0 : i32
      %dma_wait3A_446 = arith.constant 0 : i32
      %dma_wait3A_447 = tpu.memref_slice %arg6[%dma_wait3A_443, %dma_wait3A_445, %dma_wait3A_446] : memref<8x128x64xf32, #tpu.memory_space<vmem>> -> memref<1x128x64xf32, #tpu.memory_space<vmem>>
      %dma_wait3A_448 = tpu.memref_squeeze %dma_wait3A_447 : memref<1x128x64xf32, #tpu.memory_space<vmem>> -> memref<128x64xf32, #tpu.memory_space<vmem>>
      %dma_wait3A_449 = arith.constant 0 : i32
      %dma_wait3A_450 = arith.constant 0 : i32
      %dma_wait3A_451 = tpu.memref_slice %arg4[%dma_wait3A_449, %dma_wait3A_450] : memref<1638400x64xf32, #tpu.memory_space<hbm>> -> memref<128x64xf32, #tpu.memory_space<hbm>>
      %dma_wait3A_452 = tpu.memref_slice %arg8[%dma_wait3A_444] : memref<8x!tpu.dma_semaphore, #tpu.memory_space<semaphore_mem>> -> memref<1x!tpu.dma_semaphore, #tpu.memory_space<semaphore_mem>>
      %dma_wait3A_453 = tpu.memref_squeeze %dma_wait3A_452 : memref<1x!tpu.dma_semaphore, #tpu.memory_space<semaphore_mem>> -> memref<!tpu.dma_semaphore, #tpu.memory_space<semaphore_mem>>
      %dma_wait3A_454 = arith.constant 0 : i32
      %dma_wait3A_455 = arith.constant 0 : i32
      %dma_wait3A_456 = tpu.memref_slice %arg4[%dma_wait3A_454, %dma_wait3A_455] : memref<1638400x64xf32, #tpu.memory_space<hbm>> -> memref<128x64xf32, #tpu.memory_space<hbm>>
      %dma_wait3A_457 = arith.constant 0 : i32
      %dma_wait3A_458 = arith.constant 0 : i32
      %dma_wait3A_459 = tpu.memref_slice %arg6[%dma_wait3A_443, %dma_wait3A_457, %dma_wait3A_458] : memref<8x128x64xf32, #tpu.memory_space<vmem>> -> memref<1x128x64xf32, #tpu.memory_space<vmem>>
      %dma_wait3A_460 = tpu.memref_squeeze %dma_wait3A_459 : memref<1x128x64xf32, #tpu.memory_space<vmem>> -> memref<128x64xf32, #tpu.memory_space<vmem>>
      tpu.wait_dma2 semaphore(%dma_wait3A_453 : memref<!tpu.dma_semaphore, #tpu.memory_space<semaphore_mem>>) src(%dma_wait3A_460 : memref<128x64xf32, #tpu.memory_space<vmem>>) dst(%dma_wait3A_456 : memref<128x64xf32, #tpu.memory_space<hbm>>)
      %add3A_461 = arith.constant 1 : i32
      %add3A_462 = arith.addi %scan3A_114, %add3A_461 : i32
      %lt3A = arith.constant 50 : i32
      %lt3A_463 = arith.cmpi slt, %add3A_462, %lt3A : i32
      %convert_element_type3A = arith.extui %lt3A_463 : i1 to i32
      %cond3A = arith.constant 0 : i32
      %cond3A_464 = arith.cmpi ne, %convert_element_type3A, %cond3A : i32
      scf.if %cond3A_464 {
        %add3A_641 = arith.constant 1 : i32
        %add3A_642 = arith.addi %scan3A_114, %add3A_641 : i32
        %mul3A_643 = arith.constant 8 : i32
        %mul3A_644 = arith.muli %add3A_642, %mul3A_643 : i32
        %add3A_645 = arith.constant 0 : i32
        %add3A_646 = arith.addi %mul3A_644, %add3A_645 : i32
        %mul3A_647 = arith.constant 128 : i32
        %mul3A_648 = arith.muli %add3A_646, %mul3A_647 : i32
        %dma_start3A_649 = arith.constant 0 : i32
        %dma_start3A_650 = arith.constant 0 : i32
        %dma_start3A_651 = arith.constant 0 : i32
        %dma_start3A_652 = arith.constant 0 : i32
        %dma_start3A_653 = tpu.memref_slice %arg6[%dma_start3A_649, %dma_start3A_651, %dma_start3A_652] : memref<8x128x64xf32, #tpu.memory_space<vmem>> -> memref<1x128x64xf32, #tpu.memory_space<vmem>>
        %dma_start3A_654 = tpu.memref_squeeze %dma_start3A_653 : memref<1x128x64xf32, #tpu.memory_space<vmem>> -> memref<128x64xf32, #tpu.memory_space<vmem>>
        %dma_start3A_655 = tpu.memref_slice %arg5[%mul3A_648] : memref<51200xi32, #tpu.memory_space<vmem>> -> memref<128xi32, #tpu.memory_space<vmem>>
        %dma_start3A_656 = arith.constant 0 : i32
        %dma_start3A_657 = arith.constant 0 : i32
        %dma_start3A_658 = tpu.memref_slice %arg3[%dma_start3A_656, %dma_start3A_657] : memref<800000x64xf32, #tpu.memory_space<hbm>> -> memref<800000x64xf32, #tpu.memory_space<hbm>>
        %dma_start3A_659 = tpu.memref_slice %arg7[%dma_start3A_650] : memref<8x!tpu.dma_semaphore, #tpu.memory_space<semaphore_mem>> -> memref<1x!tpu.dma_semaphore, #tpu.memory_space<semaphore_mem>>
        %dma_start3A_660 = tpu.memref_squeeze %dma_start3A_659 : memref<1x!tpu.dma_semaphore, #tpu.memory_space<semaphore_mem>> -> memref<!tpu.dma_semaphore, #tpu.memory_space<semaphore_mem>>
        tpu.enqueue_indirect_dma source(%dma_start3A_658 : memref<800000x64xf32, #tpu.memory_space<hbm>>) target(%dma_start3A_654 : memref<128x64xf32, #tpu.memory_space<vmem>>) offsets(%dma_start3A_655 : memref<128xi32, #tpu.memory_space<vmem>>) semaphore(%dma_start3A_660 : memref<!tpu.dma_semaphore, #tpu.memory_space<semaphore_mem>>)
      } else {
      }
      %dma_wait3A_465 = arith.constant 1 : i32
      %dma_wait3A_466 = arith.constant 1 : i32
      %dma_wait3A_467 = arith.constant 0 : i32
      %dma_wait3A_468 = arith.constant 0 : i32
      %dma_wait3A_469 = tpu.memref_slice %arg6[%dma_wait3A_465, %dma_wait3A_467, %dma_wait3A_468] : memref<8x128x64xf32, #tpu.memory_space<vmem>> -> memref<1x128x64xf32, #tpu.memory_space<vmem>>
      %dma_wait3A_470 = tpu.memref_squeeze %dma_wait3A_469 : memref<1x128x64xf32, #tpu.memory_space<vmem>> -> memref<128x64xf32, #tpu.memory_space<vmem>>
      %dma_wait3A_471 = arith.constant 0 : i32
      %dma_wait3A_472 = arith.constant 0 : i32
      %dma_wait3A_473 = tpu.memref_slice %arg4[%dma_wait3A_471, %dma_wait3A_472] : memref<1638400x64xf32, #tpu.memory_space<hbm>> -> memref<128x64xf32, #tpu.memory_space<hbm>>
      %dma_wait3A_474 = tpu.memref_slice %arg8[%dma_wait3A_466] : memref<8x!tpu.dma_semaphore, #tpu.memory_space<semaphore_mem>> -> memref<1x!tpu.dma_semaphore, #tpu.memory_space<semaphore_mem>>
      %dma_wait3A_475 = tpu.memref_squeeze %dma_wait3A_474 : memref<1x!tpu.dma_semaphore, #tpu.memory_space<semaphore_mem>> -> memref<!tpu.dma_semaphore, #tpu.memory_space<semaphore_mem>>
      %dma_wait3A_476 = arith.constant 0 : i32
      %dma_wait3A_477 = arith.constant 0 : i32
      %dma_wait3A_478 = tpu.memref_slice %arg4[%dma_wait3A_476, %dma_wait3A_477] : memref<1638400x64xf32, #tpu.memory_space<hbm>> -> memref<128x64xf32, #tpu.memory_space<hbm>>
      %dma_wait3A_479 = arith.constant 0 : i32
      %dma_wait3A_480 = arith.constant 0 : i32
      %dma_wait3A_481 = tpu.memref_slice %arg6[%dma_wait3A_465, %dma_wait3A_479, %dma_wait3A_480] : memref<8x128x64xf32, #tpu.memory_space<vmem>> -> memref<1x128x64xf32, #tpu.memory_space<vmem>>
      %dma_wait3A_482 = tpu.memref_squeeze %dma_wait3A_481 : memref<1x128x64xf32, #tpu.memory_space<vmem>> -> memref<128x64xf32, #tpu.memory_space<vmem>>
      tpu.wait_dma2 semaphore(%dma_wait3A_475 : memref<!tpu.dma_semaphore, #tpu.memory_space<semaphore_mem>>) src(%dma_wait3A_482 : memref<128x64xf32, #tpu.memory_space<vmem>>) dst(%dma_wait3A_478 : memref<128x64xf32, #tpu.memory_space<hbm>>)
      %add3A_483 = arith.constant 1 : i32
      %add3A_484 = arith.addi %scan3A_114, %add3A_483 : i32
      %lt3A_485 = arith.constant 50 : i32
      %lt3A_486 = arith.cmpi slt, %add3A_484, %lt3A_485 : i32
      %convert_element_type3A_487 = arith.extui %lt3A_486 : i1 to i32
      %cond3A_488 = arith.constant 0 : i32
      %cond3A_489 = arith.cmpi ne, %convert_element_type3A_487, %cond3A_488 : i32
      scf.if %cond3A_489 {
        %add3A_641 = arith.constant 1 : i32
        %add3A_642 = arith.addi %scan3A_114, %add3A_641 : i32
        %mul3A_643 = arith.constant 8 : i32
        %mul3A_644 = arith.muli %add3A_642, %mul3A_643 : i32
        %add3A_645 = arith.constant 1 : i32
        %add3A_646 = arith.addi %mul3A_644, %add3A_645 : i32
        %mul3A_647 = arith.constant 128 : i32
        %mul3A_648 = arith.muli %add3A_646, %mul3A_647 : i32
        %dma_start3A_649 = arith.constant 1 : i32
        %dma_start3A_650 = arith.constant 1 : i32
        %dma_start3A_651 = arith.constant 0 : i32
        %dma_start3A_652 = arith.constant 0 : i32
        %dma_start3A_653 = tpu.memref_slice %arg6[%dma_start3A_649, %dma_start3A_651, %dma_start3A_652] : memref<8x128x64xf32, #tpu.memory_space<vmem>> -> memref<1x128x64xf32, #tpu.memory_space<vmem>>
        %dma_start3A_654 = tpu.memref_squeeze %dma_start3A_653 : memref<1x128x64xf32, #tpu.memory_space<vmem>> -> memref<128x64xf32, #tpu.memory_space<vmem>>
        %dma_start3A_655 = tpu.memref_slice %arg5[%mul3A_648] : memref<51200xi32, #tpu.memory_space<vmem>> -> memref<128xi32, #tpu.memory_space<vmem>>
        %dma_start3A_656 = arith.constant 0 : i32
        %dma_start3A_657 = arith.constant 0 : i32
        %dma_start3A_658 = tpu.memref_slice %arg3[%dma_start3A_656, %dma_start3A_657] : memref<800000x64xf32, #tpu.memory_space<hbm>> -> memref<800000x64xf32, #tpu.memory_space<hbm>>
        %dma_start3A_659 = tpu.memref_slice %arg7[%dma_start3A_650] : memref<8x!tpu.dma_semaphore, #tpu.memory_space<semaphore_mem>> -> memref<1x!tpu.dma_semaphore, #tpu.memory_space<semaphore_mem>>
        %dma_start3A_660 = tpu.memref_squeeze %dma_start3A_659 : memref<1x!tpu.dma_semaphore, #tpu.memory_space<semaphore_mem>> -> memref<!tpu.dma_semaphore, #tpu.memory_space<semaphore_mem>>
        tpu.enqueue_indirect_dma source(%dma_start3A_658 : memref<800000x64xf32, #tpu.memory_space<hbm>>) target(%dma_start3A_654 : memref<128x64xf32, #tpu.memory_space<vmem>>) offsets(%dma_start3A_655 : memref<128xi32, #tpu.memory_space<vmem>>) semaphore(%dma_start3A_660 : memref<!tpu.dma_semaphore, #tpu.memory_space<semaphore_mem>>)
      } else {
      }
      %dma_wait3A_490 = arith.constant 2 : i32
      %dma_wait3A_491 = arith.constant 2 : i32
      %dma_wait3A_492 = arith.constant 0 : i32
      %dma_wait3A_493 = arith.constant 0 : i32
      %dma_wait3A_494 = tpu.memref_slice %arg6[%dma_wait3A_490, %dma_wait3A_492, %dma_wait3A_493] : memref<8x128x64xf32, #tpu.memory_space<vmem>> -> memref<1x128x64xf32, #tpu.memory_space<vmem>>
      %dma_wait3A_495 = tpu.memref_squeeze %dma_wait3A_494 : memref<1x128x64xf32, #tpu.memory_space<vmem>> -> memref<128x64xf32, #tpu.memory_space<vmem>>
      %dma_wait3A_496 = arith.constant 0 : i32
      %dma_wait3A_497 = arith.constant 0 : i32
      %dma_wait3A_498 = tpu.memref_slice %arg4[%dma_wait3A_496, %dma_wait3A_497] : memref<1638400x64xf32, #tpu.memory_space<hbm>> -> memref<128x64xf32, #tpu.memory_space<hbm>>
      %dma_wait3A_499 = tpu.memref_slice %arg8[%dma_wait3A_491] : memref<8x!tpu.dma_semaphore, #tpu.memory_space<semaphore_mem>> -> memref<1x!tpu.dma_semaphore, #tpu.memory_space<semaphore_mem>>
      %dma_wait3A_500 = tpu.memref_squeeze %dma_wait3A_499 : memref<1x!tpu.dma_semaphore, #tpu.memory_space<semaphore_mem>> -> memref<!tpu.dma_semaphore, #tpu.memory_space<semaphore_mem>>
      %dma_wait3A_501 = arith.constant 0 : i32
      %dma_wait3A_502 = arith.constant 0 : i32
      %dma_wait3A_503 = tpu.memref_slice %arg4[%dma_wait3A_501, %dma_wait3A_502] : memref<1638400x64xf32, #tpu.memory_space<hbm>> -> memref<128x64xf32, #tpu.memory_space<hbm>>
      %dma_wait3A_504 = arith.constant 0 : i32
      %dma_wait3A_505 = arith.constant 0 : i32
      %dma_wait3A_506 = tpu.memref_slice %arg6[%dma_wait3A_490, %dma_wait3A_504, %dma_wait3A_505] : memref<8x128x64xf32, #tpu.memory_space<vmem>> -> memref<1x128x64xf32, #tpu.memory_space<vmem>>
      %dma_wait3A_507 = tpu.memref_squeeze %dma_wait3A_506 : memref<1x128x64xf32, #tpu.memory_space<vmem>> -> memref<128x64xf32, #tpu.memory_space<vmem>>
      tpu.wait_dma2 semaphore(%dma_wait3A_500 : memref<!tpu.dma_semaphore, #tpu.memory_space<semaphore_mem>>) src(%dma_wait3A_507 : memref<128x64xf32, #tpu.memory_space<vmem>>) dst(%dma_wait3A_503 : memref<128x64xf32, #tpu.memory_space<hbm>>)
      %add3A_508 = arith.constant 1 : i32
      %add3A_509 = arith.addi %scan3A_114, %add3A_508 : i32
      %lt3A_510 = arith.constant 50 : i32
      %lt3A_511 = arith.cmpi slt, %add3A_509, %lt3A_510 : i32
      %convert_element_type3A_512 = arith.extui %lt3A_511 : i1 to i32
      %cond3A_513 = arith.constant 0 : i32
      %cond3A_514 = arith.cmpi ne, %convert_element_type3A_512, %cond3A_513 : i32
      scf.if %cond3A_514 {
        %add3A_641 = arith.constant 1 : i32
        %add3A_642 = arith.addi %scan3A_114, %add3A_641 : i32
        %mul3A_643 = arith.constant 8 : i32
        %mul3A_644 = arith.muli %add3A_642, %mul3A_643 : i32
        %add3A_645 = arith.constant 2 : i32
        %add3A_646 = arith.addi %mul3A_644, %add3A_645 : i32
        %mul3A_647 = arith.constant 128 : i32
        %mul3A_648 = arith.muli %add3A_646, %mul3A_647 : i32
        %dma_start3A_649 = arith.constant 2 : i32
        %dma_start3A_650 = arith.constant 2 : i32
        %dma_start3A_651 = arith.constant 0 : i32
        %dma_start3A_652 = arith.constant 0 : i32
        %dma_start3A_653 = tpu.memref_slice %arg6[%dma_start3A_649, %dma_start3A_651, %dma_start3A_652] : memref<8x128x64xf32, #tpu.memory_space<vmem>> -> memref<1x128x64xf32, #tpu.memory_space<vmem>>
        %dma_start3A_654 = tpu.memref_squeeze %dma_start3A_653 : memref<1x128x64xf32, #tpu.memory_space<vmem>> -> memref<128x64xf32, #tpu.memory_space<vmem>>
        %dma_start3A_655 = tpu.memref_slice %arg5[%mul3A_648] : memref<51200xi32, #tpu.memory_space<vmem>> -> memref<128xi32, #tpu.memory_space<vmem>>
        %dma_start3A_656 = arith.constant 0 : i32
        %dma_start3A_657 = arith.constant 0 : i32
        %dma_start3A_658 = tpu.memref_slice %arg3[%dma_start3A_656, %dma_start3A_657] : memref<800000x64xf32, #tpu.memory_space<hbm>> -> memref<800000x64xf32, #tpu.memory_space<hbm>>
        %dma_start3A_659 = tpu.memref_slice %arg7[%dma_start3A_650] : memref<8x!tpu.dma_semaphore, #tpu.memory_space<semaphore_mem>> -> memref<1x!tpu.dma_semaphore, #tpu.memory_space<semaphore_mem>>
        %dma_start3A_660 = tpu.memref_squeeze %dma_start3A_659 : memref<1x!tpu.dma_semaphore, #tpu.memory_space<semaphore_mem>> -> memref<!tpu.dma_semaphore, #tpu.memory_space<semaphore_mem>>
        tpu.enqueue_indirect_dma source(%dma_start3A_658 : memref<800000x64xf32, #tpu.memory_space<hbm>>) target(%dma_start3A_654 : memref<128x64xf32, #tpu.memory_space<vmem>>) offsets(%dma_start3A_655 : memref<128xi32, #tpu.memory_space<vmem>>) semaphore(%dma_start3A_660 : memref<!tpu.dma_semaphore, #tpu.memory_space<semaphore_mem>>)
      } else {
      }
      %dma_wait3A_515 = arith.constant 3 : i32
      %dma_wait3A_516 = arith.constant 3 : i32
      %dma_wait3A_517 = arith.constant 0 : i32
      %dma_wait3A_518 = arith.constant 0 : i32
      %dma_wait3A_519 = tpu.memref_slice %arg6[%dma_wait3A_515, %dma_wait3A_517, %dma_wait3A_518] : memref<8x128x64xf32, #tpu.memory_space<vmem>> -> memref<1x128x64xf32, #tpu.memory_space<vmem>>
      %dma_wait3A_520 = tpu.memref_squeeze %dma_wait3A_519 : memref<1x128x64xf32, #tpu.memory_space<vmem>> -> memref<128x64xf32, #tpu.memory_space<vmem>>
      %dma_wait3A_521 = arith.constant 0 : i32
      %dma_wait3A_522 = arith.constant 0 : i32
      %dma_wait3A_523 = tpu.memref_slice %arg4[%dma_wait3A_521, %dma_wait3A_522] : memref<1638400x64xf32, #tpu.memory_space<hbm>> -> memref<128x64xf32, #tpu.memory_space<hbm>>
      %dma_wait3A_524 = tpu.memref_slice %arg8[%dma_wait3A_516] : memref<8x!tpu.dma_semaphore, #tpu.memory_space<semaphore_mem>> -> memref<1x!tpu.dma_semaphore, #tpu.memory_space<semaphore_mem>>
      %dma_wait3A_525 = tpu.memref_squeeze %dma_wait3A_524 : memref<1x!tpu.dma_semaphore, #tpu.memory_space<semaphore_mem>> -> memref<!tpu.dma_semaphore, #tpu.memory_space<semaphore_mem>>
      %dma_wait3A_526 = arith.constant 0 : i32
      %dma_wait3A_527 = arith.constant 0 : i32
      %dma_wait3A_528 = tpu.memref_slice %arg4[%dma_wait3A_526, %dma_wait3A_527] : memref<1638400x64xf32, #tpu.memory_space<hbm>> -> memref<128x64xf32, #tpu.memory_space<hbm>>
      %dma_wait3A_529 = arith.constant 0 : i32
      %dma_wait3A_530 = arith.constant 0 : i32
      %dma_wait3A_531 = tpu.memref_slice %arg6[%dma_wait3A_515, %dma_wait3A_529, %dma_wait3A_530] : memref<8x128x64xf32, #tpu.memory_space<vmem>> -> memref<1x128x64xf32, #tpu.memory_space<vmem>>
      %dma_wait3A_532 = tpu.memref_squeeze %dma_wait3A_531 : memref<1x128x64xf32, #tpu.memory_space<vmem>> -> memref<128x64xf32, #tpu.memory_space<vmem>>
      tpu.wait_dma2 semaphore(%dma_wait3A_525 : memref<!tpu.dma_semaphore, #tpu.memory_space<semaphore_mem>>) src(%dma_wait3A_532 : memref<128x64xf32, #tpu.memory_space<vmem>>) dst(%dma_wait3A_528 : memref<128x64xf32, #tpu.memory_space<hbm>>)
      %add3A_533 = arith.constant 1 : i32
      %add3A_534 = arith.addi %scan3A_114, %add3A_533 : i32
      %lt3A_535 = arith.constant 50 : i32
      %lt3A_536 = arith.cmpi slt, %add3A_534, %lt3A_535 : i32
      %convert_element_type3A_537 = arith.extui %lt3A_536 : i1 to i32
      %cond3A_538 = arith.constant 0 : i32
      %cond3A_539 = arith.cmpi ne, %convert_element_type3A_537, %cond3A_538 : i32
      scf.if %cond3A_539 {
        %add3A_641 = arith.constant 1 : i32
        %add3A_642 = arith.addi %scan3A_114, %add3A_641 : i32
        %mul3A_643 = arith.constant 8 : i32
        %mul3A_644 = arith.muli %add3A_642, %mul3A_643 : i32
        %add3A_645 = arith.constant 3 : i32
        %add3A_646 = arith.addi %mul3A_644, %add3A_645 : i32
        %mul3A_647 = arith.constant 128 : i32
        %mul3A_648 = arith.muli %add3A_646, %mul3A_647 : i32
        %dma_start3A_649 = arith.constant 3 : i32
        %dma_start3A_650 = arith.constant 3 : i32
        %dma_start3A_651 = arith.constant 0 : i32
        %dma_start3A_652 = arith.constant 0 : i32
        %dma_start3A_653 = tpu.memref_slice %arg6[%dma_start3A_649, %dma_start3A_651, %dma_start3A_652] : memref<8x128x64xf32, #tpu.memory_space<vmem>> -> memref<1x128x64xf32, #tpu.memory_space<vmem>>
        %dma_start3A_654 = tpu.memref_squeeze %dma_start3A_653 : memref<1x128x64xf32, #tpu.memory_space<vmem>> -> memref<128x64xf32, #tpu.memory_space<vmem>>
        %dma_start3A_655 = tpu.memref_slice %arg5[%mul3A_648] : memref<51200xi32, #tpu.memory_space<vmem>> -> memref<128xi32, #tpu.memory_space<vmem>>
        %dma_start3A_656 = arith.constant 0 : i32
        %dma_start3A_657 = arith.constant 0 : i32
        %dma_start3A_658 = tpu.memref_slice %arg3[%dma_start3A_656, %dma_start3A_657] : memref<800000x64xf32, #tpu.memory_space<hbm>> -> memref<800000x64xf32, #tpu.memory_space<hbm>>
        %dma_start3A_659 = tpu.memref_slice %arg7[%dma_start3A_650] : memref<8x!tpu.dma_semaphore, #tpu.memory_space<semaphore_mem>> -> memref<1x!tpu.dma_semaphore, #tpu.memory_space<semaphore_mem>>
        %dma_start3A_660 = tpu.memref_squeeze %dma_start3A_659 : memref<1x!tpu.dma_semaphore, #tpu.memory_space<semaphore_mem>> -> memref<!tpu.dma_semaphore, #tpu.memory_space<semaphore_mem>>
        tpu.enqueue_indirect_dma source(%dma_start3A_658 : memref<800000x64xf32, #tpu.memory_space<hbm>>) target(%dma_start3A_654 : memref<128x64xf32, #tpu.memory_space<vmem>>) offsets(%dma_start3A_655 : memref<128xi32, #tpu.memory_space<vmem>>) semaphore(%dma_start3A_660 : memref<!tpu.dma_semaphore, #tpu.memory_space<semaphore_mem>>)
      } else {
      }
      %dma_wait3A_540 = arith.constant 4 : i32
      %dma_wait3A_541 = arith.constant 4 : i32
      %dma_wait3A_542 = arith.constant 0 : i32
      %dma_wait3A_543 = arith.constant 0 : i32
      %dma_wait3A_544 = tpu.memref_slice %arg6[%dma_wait3A_540, %dma_wait3A_542, %dma_wait3A_543] : memref<8x128x64xf32, #tpu.memory_space<vmem>> -> memref<1x128x64xf32, #tpu.memory_space<vmem>>
      %dma_wait3A_545 = tpu.memref_squeeze %dma_wait3A_544 : memref<1x128x64xf32, #tpu.memory_space<vmem>> -> memref<128x64xf32, #tpu.memory_space<vmem>>
      %dma_wait3A_546 = arith.constant 0 : i32
      %dma_wait3A_547 = arith.constant 0 : i32
      %dma_wait3A_548 = tpu.memref_slice %arg4[%dma_wait3A_546, %dma_wait3A_547] : memref<1638400x64xf32, #tpu.memory_space<hbm>> -> memref<128x64xf32, #tpu.memory_space<hbm>>
      %dma_wait3A_549 = tpu.memref_slice %arg8[%dma_wait3A_541] : memref<8x!tpu.dma_semaphore, #tpu.memory_space<semaphore_mem>> -> memref<1x!tpu.dma_semaphore, #tpu.memory_space<semaphore_mem>>
      %dma_wait3A_550 = tpu.memref_squeeze %dma_wait3A_549 : memref<1x!tpu.dma_semaphore, #tpu.memory_space<semaphore_mem>> -> memref<!tpu.dma_semaphore, #tpu.memory_space<semaphore_mem>>
      %dma_wait3A_551 = arith.constant 0 : i32
      %dma_wait3A_552 = arith.constant 0 : i32
      %dma_wait3A_553 = tpu.memref_slice %arg4[%dma_wait3A_551, %dma_wait3A_552] : memref<1638400x64xf32, #tpu.memory_space<hbm>> -> memref<128x64xf32, #tpu.memory_space<hbm>>
      %dma_wait3A_554 = arith.constant 0 : i32
      %dma_wait3A_555 = arith.constant 0 : i32
      %dma_wait3A_556 = tpu.memref_slice %arg6[%dma_wait3A_540, %dma_wait3A_554, %dma_wait3A_555] : memref<8x128x64xf32, #tpu.memory_space<vmem>> -> memref<1x128x64xf32, #tpu.memory_space<vmem>>
      %dma_wait3A_557 = tpu.memref_squeeze %dma_wait3A_556 : memref<1x128x64xf32, #tpu.memory_space<vmem>> -> memref<128x64xf32, #tpu.memory_space<vmem>>
      tpu.wait_dma2 semaphore(%dma_wait3A_550 : memref<!tpu.dma_semaphore, #tpu.memory_space<semaphore_mem>>) src(%dma_wait3A_557 : memref<128x64xf32, #tpu.memory_space<vmem>>) dst(%dma_wait3A_553 : memref<128x64xf32, #tpu.memory_space<hbm>>)
      %add3A_558 = arith.constant 1 : i32
      %add3A_559 = arith.addi %scan3A_114, %add3A_558 : i32
      %lt3A_560 = arith.constant 50 : i32
      %lt3A_561 = arith.cmpi slt, %add3A_559, %lt3A_560 : i32
      %convert_element_type3A_562 = arith.extui %lt3A_561 : i1 to i32
      %cond3A_563 = arith.constant 0 : i32
      %cond3A_564 = arith.cmpi ne, %convert_element_type3A_562, %cond3A_563 : i32
      scf.if %cond3A_564 {
        %add3A_641 = arith.constant 1 : i32
        %add3A_642 = arith.addi %scan3A_114, %add3A_641 : i32
        %mul3A_643 = arith.constant 8 : i32
        %mul3A_644 = arith.muli %add3A_642, %mul3A_643 : i32
        %add3A_645 = arith.constant 4 : i32
        %add3A_646 = arith.addi %mul3A_644, %add3A_645 : i32
        %mul3A_647 = arith.constant 128 : i32
        %mul3A_648 = arith.muli %add3A_646, %mul3A_647 : i32
        %dma_start3A_649 = arith.constant 4 : i32
        %dma_start3A_650 = arith.constant 4 : i32
        %dma_start3A_651 = arith.constant 0 : i32
        %dma_start3A_652 = arith.constant 0 : i32
        %dma_start3A_653 = tpu.memref_slice %arg6[%dma_start3A_649, %dma_start3A_651, %dma_start3A_652] : memref<8x128x64xf32, #tpu.memory_space<vmem>> -> memref<1x128x64xf32, #tpu.memory_space<vmem>>
        %dma_start3A_654 = tpu.memref_squeeze %dma_start3A_653 : memref<1x128x64xf32, #tpu.memory_space<vmem>> -> memref<128x64xf32, #tpu.memory_space<vmem>>
        %dma_start3A_655 = tpu.memref_slice %arg5[%mul3A_648] : memref<51200xi32, #tpu.memory_space<vmem>> -> memref<128xi32, #tpu.memory_space<vmem>>
        %dma_start3A_656 = arith.constant 0 : i32
        %dma_start3A_657 = arith.constant 0 : i32
        %dma_start3A_658 = tpu.memref_slice %arg3[%dma_start3A_656, %dma_start3A_657] : memref<800000x64xf32, #tpu.memory_space<hbm>> -> memref<800000x64xf32, #tpu.memory_space<hbm>>
        %dma_start3A_659 = tpu.memref_slice %arg7[%dma_start3A_650] : memref<8x!tpu.dma_semaphore, #tpu.memory_space<semaphore_mem>> -> memref<1x!tpu.dma_semaphore, #tpu.memory_space<semaphore_mem>>
        %dma_start3A_660 = tpu.memref_squeeze %dma_start3A_659 : memref<1x!tpu.dma_semaphore, #tpu.memory_space<semaphore_mem>> -> memref<!tpu.dma_semaphore, #tpu.memory_space<semaphore_mem>>
        tpu.enqueue_indirect_dma source(%dma_start3A_658 : memref<800000x64xf32, #tpu.memory_space<hbm>>) target(%dma_start3A_654 : memref<128x64xf32, #tpu.memory_space<vmem>>) offsets(%dma_start3A_655 : memref<128xi32, #tpu.memory_space<vmem>>) semaphore(%dma_start3A_660 : memref<!tpu.dma_semaphore, #tpu.memory_space<semaphore_mem>>)
      } else {
      }
      %dma_wait3A_565 = arith.constant 5 : i32
      %dma_wait3A_566 = arith.constant 5 : i32
      %dma_wait3A_567 = arith.constant 0 : i32
      %dma_wait3A_568 = arith.constant 0 : i32
      %dma_wait3A_569 = tpu.memref_slice %arg6[%dma_wait3A_565, %dma_wait3A_567, %dma_wait3A_568] : memref<8x128x64xf32, #tpu.memory_space<vmem>> -> memref<1x128x64xf32, #tpu.memory_space<vmem>>
      %dma_wait3A_570 = tpu.memref_squeeze %dma_wait3A_569 : memref<1x128x64xf32, #tpu.memory_space<vmem>> -> memref<128x64xf32, #tpu.memory_space<vmem>>
      %dma_wait3A_571 = arith.constant 0 : i32
      %dma_wait3A_572 = arith.constant 0 : i32
      %dma_wait3A_573 = tpu.memref_slice %arg4[%dma_wait3A_571, %dma_wait3A_572] : memref<1638400x64xf32, #tpu.memory_space<hbm>> -> memref<128x64xf32, #tpu.memory_space<hbm>>
      %dma_wait3A_574 = tpu.memref_slice %arg8[%dma_wait3A_566] : memref<8x!tpu.dma_semaphore, #tpu.memory_space<semaphore_mem>> -> memref<1x!tpu.dma_semaphore, #tpu.memory_space<semaphore_mem>>
      %dma_wait3A_575 = tpu.memref_squeeze %dma_wait3A_574 : memref<1x!tpu.dma_semaphore, #tpu.memory_space<semaphore_mem>> -> memref<!tpu.dma_semaphore, #tpu.memory_space<semaphore_mem>>
      %dma_wait3A_576 = arith.constant 0 : i32
      %dma_wait3A_577 = arith.constant 0 : i32
      %dma_wait3A_578 = tpu.memref_slice %arg4[%dma_wait3A_576, %dma_wait3A_577] : memref<1638400x64xf32, #tpu.memory_space<hbm>> -> memref<128x64xf32, #tpu.memory_space<hbm>>
      %dma_wait3A_579 = arith.constant 0 : i32
      %dma_wait3A_580 = arith.constant 0 : i32
      %dma_wait3A_581 = tpu.memref_slice %arg6[%dma_wait3A_565, %dma_wait3A_579, %dma_wait3A_580] : memref<8x128x64xf32, #tpu.memory_space<vmem>> -> memref<1x128x64xf32, #tpu.memory_space<vmem>>
      %dma_wait3A_582 = tpu.memref_squeeze %dma_wait3A_581 : memref<1x128x64xf32, #tpu.memory_space<vmem>> -> memref<128x64xf32, #tpu.memory_space<vmem>>
      tpu.wait_dma2 semaphore(%dma_wait3A_575 : memref<!tpu.dma_semaphore, #tpu.memory_space<semaphore_mem>>) src(%dma_wait3A_582 : memref<128x64xf32, #tpu.memory_space<vmem>>) dst(%dma_wait3A_578 : memref<128x64xf32, #tpu.memory_space<hbm>>)
      %add3A_583 = arith.constant 1 : i32
      %add3A_584 = arith.addi %scan3A_114, %add3A_583 : i32
      %lt3A_585 = arith.constant 50 : i32
      %lt3A_586 = arith.cmpi slt, %add3A_584, %lt3A_585 : i32
      %convert_element_type3A_587 = arith.extui %lt3A_586 : i1 to i32
      %cond3A_588 = arith.constant 0 : i32
      %cond3A_589 = arith.cmpi ne, %convert_element_type3A_587, %cond3A_588 : i32
      scf.if %cond3A_589 {
        %add3A_641 = arith.constant 1 : i32
        %add3A_642 = arith.addi %scan3A_114, %add3A_641 : i32
        %mul3A_643 = arith.constant 8 : i32
        %mul3A_644 = arith.muli %add3A_642, %mul3A_643 : i32
        %add3A_645 = arith.constant 5 : i32
        %add3A_646 = arith.addi %mul3A_644, %add3A_645 : i32
        %mul3A_647 = arith.constant 128 : i32
        %mul3A_648 = arith.muli %add3A_646, %mul3A_647 : i32
        %dma_start3A_649 = arith.constant 5 : i32
        %dma_start3A_650 = arith.constant 5 : i32
        %dma_start3A_651 = arith.constant 0 : i32
        %dma_start3A_652 = arith.constant 0 : i32
        %dma_start3A_653 = tpu.memref_slice %arg6[%dma_start3A_649, %dma_start3A_651, %dma_start3A_652] : memref<8x128x64xf32, #tpu.memory_space<vmem>> -> memref<1x128x64xf32, #tpu.memory_space<vmem>>
        %dma_start3A_654 = tpu.memref_squeeze %dma_start3A_653 : memref<1x128x64xf32, #tpu.memory_space<vmem>> -> memref<128x64xf32, #tpu.memory_space<vmem>>
        %dma_start3A_655 = tpu.memref_slice %arg5[%mul3A_648] : memref<51200xi32, #tpu.memory_space<vmem>> -> memref<128xi32, #tpu.memory_space<vmem>>
        %dma_start3A_656 = arith.constant 0 : i32
        %dma_start3A_657 = arith.constant 0 : i32
        %dma_start3A_658 = tpu.memref_slice %arg3[%dma_start3A_656, %dma_start3A_657] : memref<800000x64xf32, #tpu.memory_space<hbm>> -> memref<800000x64xf32, #tpu.memory_space<hbm>>
        %dma_start3A_659 = tpu.memref_slice %arg7[%dma_start3A_650] : memref<8x!tpu.dma_semaphore, #tpu.memory_space<semaphore_mem>> -> memref<1x!tpu.dma_semaphore, #tpu.memory_space<semaphore_mem>>
        %dma_start3A_660 = tpu.memref_squeeze %dma_start3A_659 : memref<1x!tpu.dma_semaphore, #tpu.memory_space<semaphore_mem>> -> memref<!tpu.dma_semaphore, #tpu.memory_space<semaphore_mem>>
        tpu.enqueue_indirect_dma source(%dma_start3A_658 : memref<800000x64xf32, #tpu.memory_space<hbm>>) target(%dma_start3A_654 : memref<128x64xf32, #tpu.memory_space<vmem>>) offsets(%dma_start3A_655 : memref<128xi32, #tpu.memory_space<vmem>>) semaphore(%dma_start3A_660 : memref<!tpu.dma_semaphore, #tpu.memory_space<semaphore_mem>>)
      } else {
      }
      %dma_wait3A_590 = arith.constant 6 : i32
      %dma_wait3A_591 = arith.constant 6 : i32
      %dma_wait3A_592 = arith.constant 0 : i32
      %dma_wait3A_593 = arith.constant 0 : i32
      %dma_wait3A_594 = tpu.memref_slice %arg6[%dma_wait3A_590, %dma_wait3A_592, %dma_wait3A_593] : memref<8x128x64xf32, #tpu.memory_space<vmem>> -> memref<1x128x64xf32, #tpu.memory_space<vmem>>
      %dma_wait3A_595 = tpu.memref_squeeze %dma_wait3A_594 : memref<1x128x64xf32, #tpu.memory_space<vmem>> -> memref<128x64xf32, #tpu.memory_space<vmem>>
      %dma_wait3A_596 = arith.constant 0 : i32
      %dma_wait3A_597 = arith.constant 0 : i32
      %dma_wait3A_598 = tpu.memref_slice %arg4[%dma_wait3A_596, %dma_wait3A_597] : memref<1638400x64xf32, #tpu.memory_space<hbm>> -> memref<128x64xf32, #tpu.memory_space<hbm>>
      %dma_wait3A_599 = tpu.memref_slice %arg8[%dma_wait3A_591] : memref<8x!tpu.dma_semaphore, #tpu.memory_space<semaphore_mem>> -> memref<1x!tpu.dma_semaphore, #tpu.memory_space<semaphore_mem>>
      %dma_wait3A_600 = tpu.memref_squeeze %dma_wait3A_599 : memref<1x!tpu.dma_semaphore, #tpu.memory_space<semaphore_mem>> -> memref<!tpu.dma_semaphore, #tpu.memory_space<semaphore_mem>>
      %dma_wait3A_601 = arith.constant 0 : i32
      %dma_wait3A_602 = arith.constant 0 : i32
      %dma_wait3A_603 = tpu.memref_slice %arg4[%dma_wait3A_601, %dma_wait3A_602] : memref<1638400x64xf32, #tpu.memory_space<hbm>> -> memref<128x64xf32, #tpu.memory_space<hbm>>
      %dma_wait3A_604 = arith.constant 0 : i32
      %dma_wait3A_605 = arith.constant 0 : i32
      %dma_wait3A_606 = tpu.memref_slice %arg6[%dma_wait3A_590, %dma_wait3A_604, %dma_wait3A_605] : memref<8x128x64xf32, #tpu.memory_space<vmem>> -> memref<1x128x64xf32, #tpu.memory_space<vmem>>
      %dma_wait3A_607 = tpu.memref_squeeze %dma_wait3A_606 : memref<1x128x64xf32, #tpu.memory_space<vmem>> -> memref<128x64xf32, #tpu.memory_space<vmem>>
      tpu.wait_dma2 semaphore(%dma_wait3A_600 : memref<!tpu.dma_semaphore, #tpu.memory_space<semaphore_mem>>) src(%dma_wait3A_607 : memref<128x64xf32, #tpu.memory_space<vmem>>) dst(%dma_wait3A_603 : memref<128x64xf32, #tpu.memory_space<hbm>>)
      %add3A_608 = arith.constant 1 : i32
      %add3A_609 = arith.addi %scan3A_114, %add3A_608 : i32
      %lt3A_610 = arith.constant 50 : i32
      %lt3A_611 = arith.cmpi slt, %add3A_609, %lt3A_610 : i32
      %convert_element_type3A_612 = arith.extui %lt3A_611 : i1 to i32
      %cond3A_613 = arith.constant 0 : i32
      %cond3A_614 = arith.cmpi ne, %convert_element_type3A_612, %cond3A_613 : i32
      scf.if %cond3A_614 {
        %add3A_641 = arith.constant 1 : i32
        %add3A_642 = arith.addi %scan3A_114, %add3A_641 : i32
        %mul3A_643 = arith.constant 8 : i32
        %mul3A_644 = arith.muli %add3A_642, %mul3A_643 : i32
        %add3A_645 = arith.constant 6 : i32
        %add3A_646 = arith.addi %mul3A_644, %add3A_645 : i32
        %mul3A_647 = arith.constant 128 : i32
        %mul3A_648 = arith.muli %add3A_646, %mul3A_647 : i32
        %dma_start3A_649 = arith.constant 6 : i32
        %dma_start3A_650 = arith.constant 6 : i32
        %dma_start3A_651 = arith.constant 0 : i32
        %dma_start3A_652 = arith.constant 0 : i32
        %dma_start3A_653 = tpu.memref_slice %arg6[%dma_start3A_649, %dma_start3A_651, %dma_start3A_652] : memref<8x128x64xf32, #tpu.memory_space<vmem>> -> memref<1x128x64xf32, #tpu.memory_space<vmem>>
        %dma_start3A_654 = tpu.memref_squeeze %dma_start3A_653 : memref<1x128x64xf32, #tpu.memory_space<vmem>> -> memref<128x64xf32, #tpu.memory_space<vmem>>
        %dma_start3A_655 = tpu.memref_slice %arg5[%mul3A_648] : memref<51200xi32, #tpu.memory_space<vmem>> -> memref<128xi32, #tpu.memory_space<vmem>>
        %dma_start3A_656 = arith.constant 0 : i32
        %dma_start3A_657 = arith.constant 0 : i32
        %dma_start3A_658 = tpu.memref_slice %arg3[%dma_start3A_656, %dma_start3A_657] : memref<800000x64xf32, #tpu.memory_space<hbm>> -> memref<800000x64xf32, #tpu.memory_space<hbm>>
        %dma_start3A_659 = tpu.memref_slice %arg7[%dma_start3A_650] : memref<8x!tpu.dma_semaphore, #tpu.memory_space<semaphore_mem>> -> memref<1x!tpu.dma_semaphore, #tpu.memory_space<semaphore_mem>>
        %dma_start3A_660 = tpu.memref_squeeze %dma_start3A_659 : memref<1x!tpu.dma_semaphore, #tpu.memory_space<semaphore_mem>> -> memref<!tpu.dma_semaphore, #tpu.memory_space<semaphore_mem>>
        tpu.enqueue_indirect_dma source(%dma_start3A_658 : memref<800000x64xf32, #tpu.memory_space<hbm>>) target(%dma_start3A_654 : memref<128x64xf32, #tpu.memory_space<vmem>>) offsets(%dma_start3A_655 : memref<128xi32, #tpu.memory_space<vmem>>) semaphore(%dma_start3A_660 : memref<!tpu.dma_semaphore, #tpu.memory_space<semaphore_mem>>)
      } else {
      }
      %dma_wait3A_615 = arith.constant 7 : i32
      %dma_wait3A_616 = arith.constant 7 : i32
      %dma_wait3A_617 = arith.constant 0 : i32
      %dma_wait3A_618 = arith.constant 0 : i32
      %dma_wait3A_619 = tpu.memref_slice %arg6[%dma_wait3A_615, %dma_wait3A_617, %dma_wait3A_618] : memref<8x128x64xf32, #tpu.memory_space<vmem>> -> memref<1x128x64xf32, #tpu.memory_space<vmem>>
      %dma_wait3A_620 = tpu.memref_squeeze %dma_wait3A_619 : memref<1x128x64xf32, #tpu.memory_space<vmem>> -> memref<128x64xf32, #tpu.memory_space<vmem>>
      %dma_wait3A_621 = arith.constant 0 : i32
      %dma_wait3A_622 = arith.constant 0 : i32
      %dma_wait3A_623 = tpu.memref_slice %arg4[%dma_wait3A_621, %dma_wait3A_622] : memref<1638400x64xf32, #tpu.memory_space<hbm>> -> memref<128x64xf32, #tpu.memory_space<hbm>>
      %dma_wait3A_624 = tpu.memref_slice %arg8[%dma_wait3A_616] : memref<8x!tpu.dma_semaphore, #tpu.memory_space<semaphore_mem>> -> memref<1x!tpu.dma_semaphore, #tpu.memory_space<semaphore_mem>>
      %dma_wait3A_625 = tpu.memref_squeeze %dma_wait3A_624 : memref<1x!tpu.dma_semaphore, #tpu.memory_space<semaphore_mem>> -> memref<!tpu.dma_semaphore, #tpu.memory_space<semaphore_mem>>
      %dma_wait3A_626 = arith.constant 0 : i32
      %dma_wait3A_627 = arith.constant 0 : i32
      %dma_wait3A_628 = tpu.memref_slice %arg4[%dma_wait3A_626, %dma_wait3A_627] : memref<1638400x64xf32, #tpu.memory_space<hbm>> -> memref<128x64xf32, #tpu.memory_space<hbm>>
      %dma_wait3A_629 = arith.constant 0 : i32
      %dma_wait3A_630 = arith.constant 0 : i32
      %dma_wait3A_631 = tpu.memref_slice %arg6[%dma_wait3A_615, %dma_wait3A_629, %dma_wait3A_630] : memref<8x128x64xf32, #tpu.memory_space<vmem>> -> memref<1x128x64xf32, #tpu.memory_space<vmem>>
      %dma_wait3A_632 = tpu.memref_squeeze %dma_wait3A_631 : memref<1x128x64xf32, #tpu.memory_space<vmem>> -> memref<128x64xf32, #tpu.memory_space<vmem>>
      tpu.wait_dma2 semaphore(%dma_wait3A_625 : memref<!tpu.dma_semaphore, #tpu.memory_space<semaphore_mem>>) src(%dma_wait3A_632 : memref<128x64xf32, #tpu.memory_space<vmem>>) dst(%dma_wait3A_628 : memref<128x64xf32, #tpu.memory_space<hbm>>)
      %add3A_633 = arith.constant 1 : i32
      %add3A_634 = arith.addi %scan3A_114, %add3A_633 : i32
      %lt3A_635 = arith.constant 50 : i32
      %lt3A_636 = arith.cmpi slt, %add3A_634, %lt3A_635 : i32
      %convert_element_type3A_637 = arith.extui %lt3A_636 : i1 to i32
      %cond3A_638 = arith.constant 0 : i32
      %cond3A_639 = arith.cmpi ne, %convert_element_type3A_637, %cond3A_638 : i32
      scf.if %cond3A_639 {
        %add3A_641 = arith.constant 1 : i32
        %add3A_642 = arith.addi %scan3A_114, %add3A_641 : i32
        %mul3A_643 = arith.constant 8 : i32
        %mul3A_644 = arith.muli %add3A_642, %mul3A_643 : i32
        %add3A_645 = arith.constant 7 : i32
        %add3A_646 = arith.addi %mul3A_644, %add3A_645 : i32
        %mul3A_647 = arith.constant 128 : i32
        %mul3A_648 = arith.muli %add3A_646, %mul3A_647 : i32
        %dma_start3A_649 = arith.constant 7 : i32
        %dma_start3A_650 = arith.constant 7 : i32
        %dma_start3A_651 = arith.constant 0 : i32
        %dma_start3A_652 = arith.constant 0 : i32
        %dma_start3A_653 = tpu.memref_slice %arg6[%dma_start3A_649, %dma_start3A_651, %dma_start3A_652] : memref<8x128x64xf32, #tpu.memory_space<vmem>> -> memref<1x128x64xf32, #tpu.memory_space<vmem>>
        %dma_start3A_654 = tpu.memref_squeeze %dma_start3A_653 : memref<1x128x64xf32, #tpu.memory_space<vmem>> -> memref<128x64xf32, #tpu.memory_space<vmem>>
        %dma_start3A_655 = tpu.memref_slice %arg5[%mul3A_648] : memref<51200xi32, #tpu.memory_space<vmem>> -> memref<128xi32, #tpu.memory_space<vmem>>
        %dma_start3A_656 = arith.constant 0 : i32
        %dma_start3A_657 = arith.constant 0 : i32
        %dma_start3A_658 = tpu.memref_slice %arg3[%dma_start3A_656, %dma_start3A_657] : memref<800000x64xf32, #tpu.memory_space<hbm>> -> memref<800000x64xf32, #tpu.memory_space<hbm>>
        %dma_start3A_659 = tpu.memref_slice %arg7[%dma_start3A_650] : memref<8x!tpu.dma_semaphore, #tpu.memory_space<semaphore_mem>> -> memref<1x!tpu.dma_semaphore, #tpu.memory_space<semaphore_mem>>
        %dma_start3A_660 = tpu.memref_squeeze %dma_start3A_659 : memref<1x!tpu.dma_semaphore, #tpu.memory_space<semaphore_mem>> -> memref<!tpu.dma_semaphore, #tpu.memory_space<semaphore_mem>>
        tpu.enqueue_indirect_dma source(%dma_start3A_658 : memref<800000x64xf32, #tpu.memory_space<hbm>>) target(%dma_start3A_654 : memref<128x64xf32, #tpu.memory_space<vmem>>) offsets(%dma_start3A_655 : memref<128xi32, #tpu.memory_space<vmem>>) semaphore(%dma_start3A_660 : memref<!tpu.dma_semaphore, #tpu.memory_space<semaphore_mem>>)
      } else {
      }
      %scan3A_640 = arith.constant 0 : i32
      scf.yield %scan3A_640 : i32
    }
    %scan3A_113 = arith.constant 50 : i32
    return
  }
}

</mosaic_0001>

<sc_bundles>
// kernel: kernel.3.cloned.1.call-start
scs
__scs_entry_jumppad:
0x0: {  	(pc) =	sbr.rel $0x88, $3  }
0x1: {  	(tag) =	ssettag $0x0;
	lr =	simm.s32 $0x1  }
0x2: {  	[smem:$0x3F9F] =	sst lr;
	_ =	strace $0xD0000000  }
0x3: {  	_ = 	snop  }
0x4: {  	_ = 	snop  }
0x5: {  	_ = 	snop  }
0x6: {  	_ = 	snop  }
0x7: {  	_ = 	snop  }
__scs_overlays_trampoline_lowered:
0x8: {  	[smem:$0x3FAE] =	sst s0  }
0x9: {  	[smem:$0x3FAF] =	sst s1  }
0xa: {  	[smem:$0x3FB0] =	sst s2  }
0xb: {  	[smem:$0x3FB1] =	sst s3  }
0xc: {  	[smem:$0x3FB2] =	sst s4  }
0xd: {  	[smem:$0x3FB3] =	sst s5  }
0xe: {  	[smem:$0x3FB4] =	sst s6  }
0xf: {  	[smem:$0x3FB5] =	sst s7  }
0x10: {  	[smem:$0x3FB6] =	sst s8  }
0x11: {  	[smem:$0x3FB7] =	sst s9;
	s0 =	simm.s32 @!p0 $0x0  }
0x12: {  	s1 =	sld [smem:$0x3F9D];
	s0 =	simm.s32 @p0 $0x1  }
0x13: {  	[smem:$0x3FB8] =	sst s0;
	s0 =	simm.s32 @!p1 $0x0  }
0x14: {  	s2 =	sld [smem:$0x3F9C];
	s0 =	simm.s32 @p1 $0x1  }
0x15: {  	[smem:$0x3FB9] =	sst s0;
	s0 =	simm.s32 @!p2 $0x0  }
0x16: {  	s3 =	sld [smem:$0x3FDB];
	s0 =	simm.s32 @p2 $0x1  }
0x17: {  	s4 =	simm.s32 $0x1BF5;
	[smem:$0x3FBB] =	sst s0  }
0x18: {  	s0 =	sld [smem:$0x3F9E];
	_ =	swait.ge [sflag:s4], $0x0  }
0x19: {  	s7 =	sld [smem:$0x3F9F]  }
0x1a: {  	s8 =	sadd.s32 $0xFFFFE003, lr  }
0x1b: {  	s9 =	sadd.s32 $0xFFFFFEF7, lr;
	s5 =	simm.s32 $0xFFFFFFFF;
	p2 =	slt.u32 s8, $0xFFFFF086  }
0x1c: {  	p1 =	slt.u32 s9, $0xF7A;
	s5 =	simm.s32 @!p2 $0x0  }
0x1d: {  	s5 =	simm.s32 @p1 $0x1;
	p0 =	seq.s32 s7, s2  }
0x1e: {  	s7 =	smul.u32 @!p0 $0xF7A, s2;
	p2 =	seq.s32 @!p0 s5, $0x0  }
0x1f: {  	s9 =	smul.u32 $0xF7A, s1;
	s8 =	simm.s32 @!p0 $0x1BF5;
	p2 =	por !p2, p0  }
0x20: {  	[sflag:s8] =	ssyncset.s32 @!p0 $0xFFFFF086;
	s6 =	sadd.s32 @!p0 s3, s7;
	s7 =	simm.s32 @!p0 $0x108  }
0x21: {  	s3 =	sadd.s32 s3, s9;
	s6 =	sadd.s32 @!p0 $0x88, s6;
	s7 =	simm.s32 @p2 $0x1082  }
0x22: {  	[simem:s7], [sflag:s8] =	dma.local @!p0 [hbm:s6], $0xF7A  }
0x23: {  	s9 =	sor.u32 $0xD0000000, s2;
	s6 =	simm.s32 $0x108;
	_ =	swait.ge @!p0 [sflag:s8], $0x0  }
0x24: {  	s3 =	sadd.s32 $0x88, s3;
	s6 =	simm.s32 @!p1 $0x1082;
	[sflag:s4] =	ssyncset.s32 $0xFFFFF086  }
0x25: {  	[simem:s6], [sflag:s4] =	dma.local [hbm:s3], $0xF7A  }
0x26: {  	[smem:$0x3F9F] =	sst s1;
	(tag) =	ssettag s2;
	_ =	strace s9  }
0x27: {  	s1 =	sld [smem:$0x3FAF]  }
0x28: {  	s2 =	sld [smem:$0x3FB0]  }
0x29: {  	s4 =	sld [smem:$0x3FB2]  }
0x2a: {  	p0 =	seq.s32 s5, $0x0;
	s5 =	sld [smem:$0x3FB3]  }
0x2b: {  	s6 =	sld [smem:$0x3FB4]  }
0x2c: {  	s7 =	sld [smem:$0x3FB5]  }
0x2d: {  	s3 =	simm.s32 $0x108;
	s8 =	sld [smem:$0x3FB6]  }
0x2e: {  	s3 =	simm.s32 @!p0 $0x1082;
	s9 =	sld [smem:$0x3FB7]  }
0x2f: {  	lr =	sadd.s32 s0, s3;
	s0 =	sld [smem:$0x3FAE]  }
0x30: {  	s3 =	sld [smem:$0x3FB1]  }
0x31: {  	[smem:$0x3FBA] =	sst s10  }
0x32: {  	s10 =	sld [smem:$0x3FB8];
	_ =	sdelay $0x3  }
0x33: {  	p0 =	seq.s32 s10, $0x1;
	s10 =	sld [smem:$0x3FBA];
	_ =	sdelay $0x3  }
0x34: {  	[smem:$0x3FBA] =	sst s10  }
0x35: {  	s10 =	sld [smem:$0x3FB9];
	_ =	sdelay $0x3  }
0x36: {  	p1 =	seq.s32 s10, $0x1;
	s10 =	sld [smem:$0x3FBA];
	_ =	sdelay $0x3  }
0x37: {  	[smem:$0x3FBA] =	sst s10  }
0x38: {  	s10 =	sld [smem:$0x3FBB]  }
0x39: {  	_ = 	snop;
	(pc) =	sbr.ind lr, $3  }
0x3a: {  	_ = 	snop  }
0x3b: {  	_ = 	snop  }
0x3c: {  	p2 =	seq.s32 s10, $0x1;
	s10 =	sld [smem:$0x3FBA]  }
0x3d: {  	_ =	shalt  }
0x3e: {  	_ =	shalt  }
0x3f: {  	_ =	shalt  }
0x40: {  	_ =	shalt  }
0x41: {  	_ =	shalt  }
0x42: {  	_ =	shalt  }
0x43: {  	_ =	shalt  }
0x44: {  	_ =	shalt  }
0x45: {  	_ =	shalt  }
0x46: {  	_ =	shalt  }
0x47: {  	_ =	shalt  }
0x48: {  	_ =	shalt  }
0x49: {  	_ =	shalt  }
0x4a: {  	_ =	shalt  }
0x4b: {  	_ =	shalt  }
0x4c: {  	_ =	shalt  }
0x4d: {  	_ =	shalt  }
0x4e: {  	_ =	shalt  }
0x4f: {  	_ =	shalt  }
0x50: {  	_ =	shalt  }
0x51: {  	_ =	shalt  }
0x52: {  	_ =	shalt  }
0x53: {  	_ =	shalt  }
0x54: {  	_ =	shalt  }
0x55: {  	_ =	shalt  }
0x56: {  	_ =	shalt  }
0x57: {  	_ =	shalt  }
0x58: {  	_ =	shalt  }
0x59: {  	_ =	shalt  }
0x5a: {  	_ =	shalt  }
0x5b: {  	_ =	shalt  }
0x5c: {  	_ =	shalt  }
0x5d: {  	_ =	shalt  }
0x5e: {  	_ =	shalt  }
0x5f: {  	_ =	shalt  }
0x60: {  	_ =	shalt  }
0x61: {  	_ =	shalt  }
0x62: {  	_ =	shalt  }
0x63: {  	_ =	shalt  }
0x64: {  	_ =	shalt  }
0x65: {  	_ =	shalt  }
0x66: {  	_ =	shalt  }
0x67: {  	_ =	shalt  }
0x68: {  	_ =	shalt  }
0x69: {  	_ =	shalt  }
0x6a: {  	_ =	shalt  }
0x6b: {  	_ =	shalt  }
0x6c: {  	_ =	shalt  }
0x6d: {  	_ =	shalt  }
0x6e: {  	_ =	shalt  }
0x6f: {  	_ =	shalt  }
0x70: {  	_ =	shalt  }
0x71: {  	_ =	shalt  }
0x72: {  	_ =	shalt  }
0x73: {  	_ =	shalt  }
0x74: {  	_ =	shalt  }
0x75: {  	_ =	shalt  }
0x76: {  	_ =	shalt  }
0x77: {  	_ =	shalt  }
0x78: {  	_ =	shalt  }
0x79: {  	_ =	shalt  }
0x7a: {  	_ =	shalt  }
0x7b: {  	_ =	shalt  }
0x7c: {  	_ =	shalt  }
0x7d: {  	_ =	shalt  }
0x7e: {  	_ =	shalt  }
0x7f: {  	_ =	shalt  }
0x80: {  	_ =	shalt  }
0x81: {  	_ =	shalt  }
0x82: {  	_ =	shalt  }
0x83: {  	_ =	shalt  }
0x84: {  	_ =	shalt  }
0x85: {  	_ =	shalt  }
0x86: {  	_ =	shalt  }
0x87: {  	_ =	shalt  }
.Lfunc_end0:
.L_simem_size_0:
called_computation_lowered:
.L_overlay_start_0:
0x88: {  	s2 =	sld [smem:$0x3FD9]  }
0x89: {  	s3 =	sld [smem:$0x3FFE];
	_ =	sdelay $0x1  }
0x8a: {  	s1 =	srdreg.scid  }
0x8b: {  	s0 =	sand.u32 $0x1, s1  }
0x8c: {  	s16 =	sshll.u32 s0, $0xA;
	s2 =	sadd.s32 s3, s2  }
0x8d: {  	s2 =	sadd.s32 s2, s16  }
0x8e: {  	[smem:$0x3FC6] =	sst s2  }
0x8f: {  	_ = 	snop  }
0x90: {  	(tm) =	ssettm $0x1  }
0x91: {  	s17 =	sld [smem:$0x3FFB];
	_ =	sdelay $0x3  }
0x92: {  	_ =	strace s17  }
0x93: {  	s2 =	sld [smem:$0x3FFC];
	_ =	sdelay $0x3  }
0x94: {  	_ =	strace s2  }
0x95: {  	s2 =	sld [smem:$0x3FFD];
	_ =	sdelay $0x3  }
0x96: {  	_ =	strace s2  }
0x97: {  	_ =	strace $0x8FFFFFFF  }
0x98: {  	s18 =	sld [smem:$0x3FDB];
	_ =	sdelay $0x1  }
0x99: {  	s19 =	simm.s32 $_scs_section_size  }
0x9a: {  	s4 =	simm.s32 $_size__tile_overlayer_lowered;
	s5 =	simm.s32 $_tile_overlayer_lowered  }
0x9b: {  	s22 =	simm.s32 $0x1BFF;
	s21 =	sshll.u32 s5, $0x1;
	s2 =	sadd.s32 s19, s18  }
0x9c: {  	s6 =	simm.s32 $0x0;
	s20 =	sshll.u32 s4, $0x1;
	s4 =	sadd.s32 s21, s2  }
0x9d: {  	[timem:s6], [sflag:s22] =	dma.local [hbm:s4], s20  }
0x9e: {  	_ =	swait.ge [sflag:s22], s20  }
0x9f: {  	s3 =	ssub.s32 $0x0, s20;
	[sflag:s22] =	ssyncset.done $0x0  }
0xa0: {  	[sflag:s22] =	ssyncadd.s32 s3;
	_ =	sdelay $0x1  }
0xa1: {  	s23 =	simm.s32 $0x1B8B  }
0xa2: {  	_ =	swait.ge [sflag:s23], $0x1  }
0xa3: {  	[sflag:s23] =	ssyncset.done $0x0  }
0xa4: {  	s25 =	simm.s32 $0x1B8E;
	s24 =	sld [smem:$0x3FFE];
	[sflag:s23] =	ssyncadd.s32 $0xFFFFFFFF  }
0xa5: {  	s26 =	simm.s32 $execute0_lowered;
	[smem:$0x3FD2] =	sst s25  }
0xa6: {  	s4 =	sshll.u32 s26, $0x1;
	_ =	strace $0x80000046;
	[dreg:$0x1] =	wrdreg $0xFFFFFFFF  }
0xa7: {  	s28 =	simm.s32 $_size_execute0_lowered;
	s2 =	sadd.s32 s2, s4;
	[dreg:$0x0] =	wrdreg $0x0  }
0xa8: {  	s4 =	sshll.u32 s28, $0x1;
	[dreg:$0x2] =	wrdreg s2  }
0xa9: {  	[dreg:$0x3] =	wrdreg s4  }
0xaa: {  	[dreg:$0x4] =	wrdreg $0xC0  }
0xab: {  	_ =	task [dreg:s6], $0x5FFFF  }
0xac: {  	[dreg:$0x1] =	wrdreg $0xFFFFFFFF  }
0xad: {  	[dreg:$0x0] =	wrdreg $0x60  }
0xae: {  	[dreg:$0x2] =	wrdreg s24  }
0xaf: {  	[dreg:$0x3] =	wrdreg $0x9  }
0xb0: {  	_ =	task.clear_ibuf [dreg:s6], $0x4FFFF;
	_ =	strace $0x90000046  }
0xb1: {  	s29 =	simm.s32 $0x9;
	_ =	strace $0x80000048  }
0xb2: {  	_ =	swait.ge [sflag:s29], $0x1  }
0xb3: {  	[sflag:s29] =	ssyncadd.s32 $0xFFFFFFFF  }
0xb4: {  	_ =	strace $0x90000048  }
0xb5: {  	_ =	sfence  }
0xb6: {  	s30 =	sld [smem:$0x0];
	_ =	sdelay $0x2  }
0xb7: {  	s31 =	sshll.u32 s1, $0xD;
	s1 =	sshrl.u32 s1, $0x2  }
0xb8: {  	s3 =	sand.u32 $0x4000, s31;
	s1 =	sadd.s32 s1, s30  }
0xb9: {  	s0 =	sor.u32 s3, s0;
	s1 =	sshll.u32 s1, $0x11  }
0xba: {  	s0 =	sor.u32 s1, s0  }
0xbb: {  	s0 =	sadd.s32 $0x8F2B, s0  }
0xbc: {  	[sflag:s0] =	ssyncadd.remote.s32 $0x1  }
0xbd: {  	_ =	sfence.sel $0xFFFF  }
0xbe: {  	[dreg:$0x0] =	wrdreg $0xFFFFFFFF;
	(pc) =	sbr.abs _section_cstart, $3  }
0xbf: {  	[dreg:$0x1] =	wrdreg $0xFFFFFFFF  }
0xc0: {  	_ =	task.clear_ibuf [dreg:s6], $0x2FFFF;
	_ =	strace $0x9FFFFFFF  }
0xc1: {  	(tm) =	ssettm $0x7FFFFFFF  }
tec
execute0_lowered:
.L_overlay_start_1:
0x0: {  	(tag) =	ssettag $0x1  }
0x1: {  	s0 =	srdreg.scid  }
0x2: {  	s8 =	stileid.u32;
	s4 =	rddreg [dreg:$0x0]  }
0x3: {  	s2 =	simm.s32 $0x0;
	s13 =	simm.s32 $0x80;
	s14 =	simm.s32 $0xC800  }
0x4: {  	s15 =	simm.s32 $0xE800;
	s17 =	simm.s32 $0x10800;
	s19 =	simm.s32 $0x12800  }
0x5: {  	s28 =	simm.s32 $0x1A800;
	s29 =	simm.s32 $0x1;
	s30 =	simm.s32 $0x2  }
0x6: {  	s31 =	simm.s32 $0x3;
	s16 =	simm.s32 $0x6;
	s18 =	simm.s32 $0x7  }
0x7: {  	s20 =	simm.s32 $0x8;
	s12 =	simm.s32 $0xF;
	s5 =	smul.u32 $0x320, s8  }
0x8: {  	s9 =	simm.s32 $0x0;
	s0 =	sand.u32 $0x1, s0;
	s22 =	smul.u32 $0xC8000, s8  }
0x9: {  	s1 =	sshll.u32 s8, $0x1;
	[smem:$0x7FF] =	sst s2;
	s6 =	smul.u32 $0x190, s0  }
0xa: {  	s1 =	sor.u32 s0, s1;
	s21 =	ssub.s32 $0x2, s0;
	s0 =	smul.u32 $0x64000, s0  }
0xb: {  	s3 =	sadd.s32 $0x32400, s4;
	_ =	strace $0x80000047;
	s1 =	smul.u32 $0x1900, s1  }
0xc: {  	s7 =	sshrl.u32 s21, $0x1;
	s5 =	sadd.s32 s6, s5;
	s0 =	sadd.s32 s0, s22  }
0xd: {  	s22 =	simm.s32 $0x9;
	s6 =	simm.s32 $0xD;
	s1 =	sadd.s32 s1, s4  }
0xe: {  	s4 =	sadd.s32 $0x64CC00, s4;
	s5 =	sshll.u32 s5, $0xA;
	[dreg:$0x9] =	wrdreg s0  }
0xf: {  	s0 =	simm.s32 $0x5;
	[dreg:$0x2] =	wrdreg s4;
	s4 =	ssub.s32 s21, s7  }
0x10: {  	s1 =	sadd.s32 $0x400, s1;
	s24 =	sor.u32 $0x1800, s5;
	[dreg:$0x3] =	wrdreg s5  }
0x11: {  	s25 =	sor.u32 $0x1000, s5;
	s26 =	sor.u32 $0x800, s5;
	[dreg:$0x4] =	wrdreg s1  }
.Ltmp0:
0x12: {  	s21 =	simm.s32 $0x14800;
	[dreg:$0x6] =	wrdreg s24;
	(pc) =	sbr.rel .LBB2_1-.Ltmp0, $4  }
0x13: {  	s7 =	simm.s32 $0xE;
	s5 =	simm.s32 $0x10;
	[dreg:$0x7] =	wrdreg s25  }
0x14: {  	s23 =	smax.u32 s4, $0x1;
	[dreg:$0x8] =	wrdreg s26;
	s25 =	simm.s32 $0x18800  }
0x15: {  	s1 =	simm.s32 $0x4;
	s24 =	simm.s32 $0xA;
	s26 =	simm.s32 $0xB  }
0x16: {  	s4 =	simm.s32 $0xC;
	[dreg:$0x5] =	wrdreg s23;
	s23 =	simm.s32 $0x16800  }
.LBB2_3:
0x17: {  	_ =	swait.ge [sflag:s24], $0x2000  }
0x18: {  	[sflag:s24] =	ssyncset.done $0x0  }
0x19: {  	[sflag:s24] =	ssyncadd.s32 $0xFFFFE000  }
0x1a: {  	_ =	swait.ge [sflag:s26], $0x2000  }
0x1b: {  	[sflag:s26] =	ssyncset.done $0x0  }
0x1c: {  	[sflag:s26] =	ssyncadd.s32 $0xFFFFE000  }
0x1d: {  	_ =	swait.ge [sflag:s4], $0x2000  }
0x1e: {  	[sflag:s4] =	ssyncset.done $0x0  }
0x1f: {  	[sflag:s4] =	ssyncadd.s32 $0xFFFFE000  }
0x20: {  	_ =	swait.ge [sflag:s6], $0x2000  }
0x21: {  	[sflag:s6] =	ssyncset.done $0x0  }
0x22: {  	[sflag:s6] =	ssyncadd.s32 $0xFFFFE000  }
0x23: {  	_ =	swait.ge [sflag:s7], $0x2000  }
0x24: {  	[sflag:s7] =	ssyncset.done $0x0  }
0x25: {  	[sflag:s7] =	ssyncadd.s32 $0xFFFFE000  }
0x26: {  	_ =	swait.ge [sflag:s12], $0x2000  }
0x27: {  	[sflag:s12] =	ssyncset.done $0x0  }
0x28: {  	[sflag:s12] =	ssyncadd.s32 $0xFFFFE000  }
0x29: {  	_ =	swait.ge [sflag:s5], $0x2000  }
0x2a: {  	[sflag:s5] =	ssyncset.done $0x0  }
0x2b: {  	[sflag:s5] =	ssyncadd.s32 $0xFFFFE000  }
.LBB2_5:
0x2c: {  	s9 =	rddreg [dreg:$0xa]  }
0x2d: {  	s8 =	rddreg [dreg:$0x5];
	s9 =	sadd.s32 $0x1, s9  }
0x2e: {  	p0 =	sne.s32 s9, s8  }
.Ltmp1:
0x2f: {  	_ = 	snop;
	(pc) =	sbr.rel @!p0 .LBB2_6-.Ltmp1, $1  }
0x30: {  	_ =	sdelay $0x3  }
.LBB2_1:
0x31: {  	[dreg:$0xa] =	wrdreg s9  }
0x32: {  	s8 =	rddreg [dreg:$0x4];
	s11 =	simm.s32 $0x11  }
0x33: {  	[tilespmem:s2], [sflag:$0x11] =	stream.linear.gather [hbm4b:s8+s2], $0xC800, $0x38;
	[tilespmem:$0x1C800] =	vst v63  }
0x34: {  	_ =	swait.ge [sflag:s11], $0xC800  }
0x35: {  	[sflag:s11] =	ssyncset.done $0x0  }
0x36: {  	[sflag:s11] =	ssyncadd.s32 $0xFFFF3800  }
0x37: {  	[tilespmem:s14], [sflag:$0x1] =	stream.indirect.gather [hbm4b:s3+s13], $0x40, s2, s13, $0xb8;
	[tilespmem:$0x1C800] =	vst v63  }
0x38: {  	_ = 	snop  }
0x39: {  	[tilespmem:s15], [sflag:$0x2] =	stream.indirect.gather [hbm4b:s3+s13], $0x40, s13, s13, $0xb8;
	[tilespmem:$0x1C800] =	vst v63  }
0x3a: {  	s9 =	simm.s32 $0x100  }
0x3b: {  	[tilespmem:s17], [sflag:$0x3] =	stream.indirect.gather [hbm4b:s3+s13], $0x40, s9, s13, $0xb8;
	[tilespmem:$0x1C800] =	vst v63  }
0x3c: {  	s10 =	simm.s32 $0x180  }
0x3d: {  	[tilespmem:s19], [sflag:$0x4] =	stream.indirect.gather [hbm4b:s3+s13], $0x40, s10, s13, $0xb8;
	[tilespmem:$0x1C800] =	vst v63  }
0x3e: {  	s11 =	simm.s32 $0x200  }
0x3f: {  	[tilespmem:s21], [sflag:$0x5] =	stream.indirect.gather [hbm4b:s3+s13], $0x40, s11, s13, $0xb8;
	[tilespmem:$0x1C800] =	vst v63  }
0x40: {  	s9 =	simm.s32 $0x280  }
0x41: {  	[tilespmem:s23], [sflag:$0x6] =	stream.indirect.gather [hbm4b:s3+s13], $0x40, s9, s13, $0xb8;
	[tilespmem:$0x1C800] =	vst v63  }
0x42: {  	s10 =	simm.s32 $0x300  }
0x43: {  	[tilespmem:s25], [sflag:$0x7] =	stream.indirect.gather [hbm4b:s3+s13], $0x40, s10, s13, $0xb8;
	[tilespmem:$0x1C800] =	vst v63  }
0x44: {  	s8 =	rddreg [dreg:$0x2];
	s11 =	simm.s32 $0x380;
	s9 =	simm.s32 $0x0  }
0x45: {  	[tilespmem:s28], [sflag:$0x8] =	stream.indirect.gather [hbm4b:s3+s13], $0x40, s11, s13, $0xb8;
	[tilespmem:$0x1C800] =	vst v63  }
.LBB2_2:
0x46: {  	_ =	swait.ge [sflag:s29], $0x2000  }
0x47: {  	[sflag:s29] =	ssyncset.done $0x0;
	s10 =	rddreg [dreg:$0x9]  }
0x48: {  	[sflag:s29] =	ssyncadd.s32 $0xFFFFE000;
	s10 =	sadd.s32 s8, s10  }
0x49: {  	[hbm4b:s10+s2] =	stream.linear.scatter [tilespmem:s14], [sflag:$0x9], $0x2000, $0x38;
	[tilespmem:$0x1C800] =	vst v63  }
0x4a: {  	_ =	swait.ge [sflag:s30], $0x2000  }
0x4b: {  	s11 =	rddreg [dreg:$0x3]  }
0x4c: {  	[sflag:s30] =	ssyncset.done $0x0;
	s10 =	sadd.s32 s8, s11  }
0x4d: {  	[sflag:s30] =	ssyncadd.s32 $0xFFFFE000;
	s11 =	sadd.s32 $0x400, s10  }
0x4e: {  	[hbm4b:s11+s2] =	stream.linear.scatter [tilespmem:s15], [sflag:$0xA], $0x2000, $0x38;
	[tilespmem:$0x1C800] =	vst v63  }
0x4f: {  	_ =	swait.ge [sflag:s31], $0x2000  }
0x50: {  	[sflag:s31] =	ssyncset.done $0x0;
	s11 =	rddreg [dreg:$0x8]  }
0x51: {  	[sflag:s31] =	ssyncadd.s32 $0xFFFFE000;
	s11 =	sadd.s32 s8, s11  }
0x52: {  	[hbm4b:s11+s2] =	stream.linear.scatter [tilespmem:s17], [sflag:$0xB], $0x2000, $0x38;
	[tilespmem:$0x1C800] =	vst v63  }
0x53: {  	_ =	swait.ge [sflag:s1], $0x2000  }
0x54: {  	[sflag:s1] =	ssyncset.done $0x0  }
0x55: {  	s11 =	sadd.s32 $0xC00, s10;
	[sflag:s1] =	ssyncadd.s32 $0xFFFFE000  }
0x56: {  	[hbm4b:s11+s2] =	stream.linear.scatter [tilespmem:s19], [sflag:$0xC], $0x2000, $0x38;
	[tilespmem:$0x1C800] =	vst v63  }
0x57: {  	_ =	swait.ge [sflag:s0], $0x2000  }
0x58: {  	[sflag:s0] =	ssyncset.done $0x0;
	s11 =	rddreg [dreg:$0x7]  }
0x59: {  	[sflag:s0] =	ssyncadd.s32 $0xFFFFE000;
	s11 =	sadd.s32 s8, s11  }
0x5a: {  	[hbm4b:s11+s2] =	stream.linear.scatter [tilespmem:s21], [sflag:$0xD], $0x2000, $0x38;
	[tilespmem:$0x1C800] =	vst v63  }
0x5b: {  	_ =	swait.ge [sflag:s16], $0x2000  }
0x5c: {  	[sflag:s16] =	ssyncset.done $0x0  }
0x5d: {  	s11 =	sadd.s32 $0x1400, s10;
	[sflag:s16] =	ssyncadd.s32 $0xFFFFE000  }
0x5e: {  	[hbm4b:s11+s2] =	stream.linear.scatter [tilespmem:s23], [sflag:$0xE], $0x2000, $0x38;
	[tilespmem:$0x1C800] =	vst v63  }
0x5f: {  	_ =	swait.ge [sflag:s18], $0x2000  }
0x60: {  	[sflag:s18] =	ssyncset.done $0x0;
	s11 =	rddreg [dreg:$0x6]  }
0x61: {  	[sflag:s18] =	ssyncadd.s32 $0xFFFFE000;
	s11 =	sadd.s32 s8, s11  }
0x62: {  	[hbm4b:s11+s2] =	stream.linear.scatter [tilespmem:s25], [sflag:$0xF], $0x2000, $0x38;
	[tilespmem:$0x1C800] =	vst v63  }
0x63: {  	_ =	swait.ge [sflag:s20], $0x2000  }
0x64: {  	p0 =	sne.s32 s9, $0x31000;
	[sflag:s20] =	ssyncset.done $0x0  }
.Ltmp2:
0x65: {  	s10 =	sadd.s32 $0x1C00, s10;
	[sflag:s20] =	ssyncadd.s32 $0xFFFFE000;
	(pc) =	sbr.rel @!p0 .LBB2_3-.Ltmp2, $4  }
0x66: {  	[hbm4b:s10+s2] =	stream.linear.scatter [tilespmem:s28], [sflag:$0x10], $0x2000, $0x38;
	[tilespmem:$0x1C800] =	vst v63  }
0x67: {  	_ =	swait.ge [sflag:s22], $0x2000  }
0x68: {  	[sflag:s22] =	ssyncset.done $0x0  }
0x69: {  	[sflag:s22] =	ssyncadd.s32 $0xFFFFE000  }
0x6a: {  	s10 =	sshra.s32 s9, $0x2  }
0x6b: {  	s11 =	sadd.s32 $0x400, s10  }
0x6c: {  	[tilespmem:s14], [sflag:$0x1] =	stream.indirect.gather [hbm4b:s3+s13], $0x40, s11, s13, $0xb8;
	[tilespmem:$0x1C800] =	vst v63  }
0x6d: {  	_ =	swait.ge [sflag:s24], $0x2000  }
0x6e: {  	[sflag:s24] =	ssyncset.done $0x0  }
0x6f: {  	s11 =	sadd.s32 $0x480, s10;
	[sflag:s24] =	ssyncadd.s32 $0xFFFFE000  }
0x70: {  	[tilespmem:s15], [sflag:$0x2] =	stream.indirect.gather [hbm4b:s3+s13], $0x40, s11, s13, $0xb8;
	[tilespmem:$0x1C800] =	vst v63  }
0x71: {  	_ =	swait.ge [sflag:s26], $0x2000  }
0x72: {  	[sflag:s26] =	ssyncset.done $0x0  }
0x73: {  	s11 =	sadd.s32 $0x500, s10;
	[sflag:s26] =	ssyncadd.s32 $0xFFFFE000  }
0x74: {  	[tilespmem:s17], [sflag:$0x3] =	stream.indirect.gather [hbm4b:s3+s13], $0x40, s11, s13, $0xb8;
	[tilespmem:$0x1C800] =	vst v63  }
0x75: {  	_ =	swait.ge [sflag:s4], $0x2000  }
0x76: {  	[sflag:s4] =	ssyncset.done $0x0  }
0x77: {  	s11 =	sadd.s32 $0x580, s10;
	[sflag:s4] =	ssyncadd.s32 $0xFFFFE000  }
0x78: {  	[tilespmem:s19], [sflag:$0x4] =	stream.indirect.gather [hbm4b:s3+s13], $0x40, s11, s13, $0xb8;
	[tilespmem:$0x1C800] =	vst v63  }
0x79: {  	_ =	swait.ge [sflag:s6], $0x2000  }
0x7a: {  	[sflag:s6] =	ssyncset.done $0x0  }
0x7b: {  	s11 =	sadd.s32 $0x600, s10;
	[sflag:s6] =	ssyncadd.s32 $0xFFFFE000  }
0x7c: {  	[tilespmem:s21], [sflag:$0x5] =	stream.indirect.gather [hbm4b:s3+s13], $0x40, s11, s13, $0xb8;
	[tilespmem:$0x1C800] =	vst v63  }
0x7d: {  	_ =	swait.ge [sflag:s7], $0x2000  }
0x7e: {  	[sflag:s7] =	ssyncset.done $0x0  }
0x7f: {  	s11 =	sadd.s32 $0x680, s10;
	[sflag:s7] =	ssyncadd.s32 $0xFFFFE000  }
0x80: {  	[tilespmem:s23], [sflag:$0x6] =	stream.indirect.gather [hbm4b:s3+s13], $0x40, s11, s13, $0xb8;
	[tilespmem:$0x1C800] =	vst v63  }
0x81: {  	_ =	swait.ge [sflag:s12], $0x2000  }
0x82: {  	s9 =	sadd.s32 $0x1000, s9;
	[sflag:s12] =	ssyncset.done $0x0  }
0x83: {  	p0 =	sne.s32 s9, $0x32000;
	s11 =	sadd.s32 $0x700, s10;
	[sflag:s12] =	ssyncadd.s32 $0xFFFFE000  }
0x84: {  	[tilespmem:s25], [sflag:$0x7] =	stream.indirect.gather [hbm4b:s3+s13], $0x40, s11, s13, $0xb8;
	[tilespmem:$0x1C800] =	vst v63  }
.Ltmp3:
0x85: {  	_ = 	snop;
	(pc) =	sbr.rel @p0 .LBB2_2-.Ltmp3, $4  }
.Ltmp4:
0x86: {  	_ =	swait.ge [sflag:s5], $0x2000;
	(pc) =	sbr.rel @!p0 .LBB2_5-.Ltmp4, $4  }
0x87: {  	[sflag:s5] =	ssyncset.done $0x0  }
0x88: {  	s8 =	sadd.s32 $0x2000, s8;
	s10 =	sadd.s32 $0x780, s10;
	[sflag:s5] =	ssyncadd.s32 $0xFFFFE000  }
0x89: {  	[tilespmem:s28], [sflag:$0x8] =	stream.indirect.gather [hbm4b:s3+s13], $0x40, s10, s13, $0xb8;
	[tilespmem:$0x1C800] =	vst v63  }
0x8a: {  	_ = 	snop  }
.LBB2_6:
0x8b: {  	_ =	sfence.sel $0x180000  }
0x8c: {  	[bflag:$0x0] =	sbarrier.arrive $0xFFFF  }
0x8d: {  	_ =	strace $0x90000047  }
0x8e: {  	s0 =	stileid.u32;
	[bflag:$0x2] =	sbarrier.arrive $0xFFFF  }
0x8f: {  	p0 =	sne.s32 s0, $0x0;
	s0 =	rddreg [dreg:$0x1]  }
0x90: {  	s0 =	sadd.s32 @!p0 $0x100000, s0  }
0x91: {  	[sflag:s0] =	ssyncadd.tile.s32 @!p0 $0x1;
	_ =	shalt  }
.Lfunc_end2:
_tile_overlayer_lowered:
.L_overlay_start_2:
0x92: {  	(tag) =	ssettag $0x2  }
0x93: {  	s0 =	rddreg [dreg:$0x0];
	s2 =	stileid.u32  }
0x94: {  	s1 =	rddreg [dreg:$0x1];
	p0 =	sne.s32 s2, $0x0  }
0x95: {  	s3 =	rddreg [dreg:$0x2];
	[bflag:$0x3] =	sbarrier.arrive $0xFFFF;
	s2 =	simm.s32 @!p0 $0x1C11  }
0x96: {  	[timem:s3], [sflag:s2] =	dma.local @!p0 [hbm:s0], s1  }
0x97: {  	s0 =	simm.s32 @!p0 $0x11  }
0x98: {  	_ =	swait.ge @!p0 [sflag:s0], s1  }
0x99: {  	s1 =	ssub.s32 @!p0 $0x0, s1;
	[sflag:s0] =	ssyncset.done @!p0 $0x0  }
0x9a: {  	[sflag:s0] =	ssyncadd.s32 @!p0 s1  }
0x9b: {  	[bflag:$0x3] =	sbarrier.arrive $0xFFFF  }
0x9c: {  	_ =	shalt  }

</sc_bundles>
